<compile_context>
chip_gen: v7x
topology: tpu7x:2x2x1
jax: 0.10.2.dev20260603
libtpu: 0.0.44.dev20260713+nightly
codegen_flags: <defaults>
</compile_context>

<pallas_src>
import functools

import jax
import jax.numpy as jnp
from jax import lax
from jax.experimental import pallas as pl
from jax.experimental.pallas import tpu as pltpu
from jax.experimental.pallas import tpu_sc as plsc

N_NODES = 10000
D = 128
E1 = 320000
E2 = 640000

NC = 2
NS = 16
CH = 125
KB = 16
NB = 2

ROWS1 = E1 // (NS * CH)
ROWS2 = E2 // (NS * CH)
HEAD2 = 240
TAIL2 = ROWS2 - HEAD2
TBASE = HEAD2 * NS
ACC_R = 10240
ZR = ACC_R // NS
LASTR = N_NODES - (NS - 1) * ZR
IW = 4 * KB


def _body(x_hbm, src1, dst1, src2, dst2, zblk,
          x1p, p2a, p2b,
          acc, idx_s, idx_d, r0, r1, g0, g1, rsem):
    c = lax.axis_index("c")
    s = lax.axis_index("s")
    rows = (r0, r1)
    sems = (g0, g1)

    def zero_acc():
        def zero_blk(k, carry):
            pltpu.sync_copy(zblk, acc.at[pl.ds(s * ZR + k * 128, 128)])
            return carry
        lax.fori_loop(0, ZR // 128, zero_blk, 0)

    zero_acc()
    plsc.subcore_barrier()

    def run_list(src_hbm, dst_hbm, nrows, hbase):
        row0 = hbase + s * nrows

        def refill_descs(t):
            hb = pl.multiple_of(row0 + t, 8)
            vb = pl.multiple_of(lax.rem(t, IW), 8)
            return ((src_hbm.at[pl.ds(hb, KB)], idx_s.at[pl.ds(vb, KB)]),
                    (dst_hbm.at[pl.ds(hb, KB)], idx_d.at[pl.ds(vb, KB)]))

        for blk0 in (0, KB):
            for sd, dd in refill_descs(blk0):
                pltpu.sync_copy(sd, dd)

        for b in range(NB):
            pltpu.async_copy(x_hbm.at[idx_s.at[b]], rows[b], sems[b])

        def grp(g, carry):
            for b in range(NB):
                j = g * NB + b
                w = lax.rem(j, IW)
                pltpu.make_async_copy(
                    x_hbm.at[idx_s.at[w]], rows[b], sems[b]).wait()
                pltpu.sync_copy(rows[b], acc.at[idx_d.at[w]], add=True)

                t = j + NB
                tw = lax.rem(t, IW)

                @pl.when(jnp.logical_and(lax.rem(t, KB) == 0, t < nrows))
                def _():
                    @pl.when(t >= 2 * KB)
                    def _():
                        for sd, dd in refill_descs(t):
                            pltpu.make_async_copy(sd, dd, rsem).wait()

                    @pl.when(t + KB < nrows)
                    def _():
                        for sd, dd in refill_descs(t + KB):
                            pltpu.async_copy(sd, dd, rsem)

                @pl.when(t < nrows)
                def _():
                    pltpu.async_copy(x_hbm.at[idx_s.at[tw]], rows[b], sems[b])
            return carry
        lax.fori_loop(0, nrows // NB, grp, 0)

    @pl.when(c == 0)
    def _():
        run_list(src2, dst2, TAIL2, TBASE)
        plsc.subcore_barrier()
        pltpu.sync_copy(acc.at[pl.ds(s * ZR, ZR)], p2a.at[pl.ds(s * ZR, ZR)])
        zero_acc()
        plsc.subcore_barrier()
        run_list(src1, dst1, ROWS1, 0)
        plsc.subcore_barrier()

        @pl.when(s < NS - 1)
        def _():
            pltpu.sync_copy(acc.at[pl.ds(s * ZR, ZR)],
                            x1p.at[pl.ds(s * ZR, ZR)])

        @pl.when(s == NS - 1)
        def _():
            pltpu.sync_copy(acc.at[pl.ds((NS - 1) * ZR, LASTR)],
                            x1p.at[pl.ds((NS - 1) * ZR, LASTR)])

    @pl.when(c == 1)
    def _():
        run_list(src2, dst2, HEAD2, 0)
        plsc.subcore_barrier()
        pltpu.sync_copy(acc.at[pl.ds(s * ZR, ZR)], p2b.at[pl.ds(s * ZR, ZR)])


def _merge_body(x1_ref, a_ref, b_ref, o_ref):
    o_ref[:, :D] = x1_ref[...]
    o_ref[:, D:] = a_ref[...] + b_ref[...]


@jax.jit
def _h2gcn(x, src1, dst1, src2, dst2):
    zblk = jnp.zeros((128, D), jnp.float32)
    mesh = plsc.VectorSubcoreMesh(core_axis_name="c", subcore_axis_name="s")
    k = functools.partial(
        pl.kernel,
        mesh=mesh,
        out_type=[
            jax.ShapeDtypeStruct((N_NODES, D), jnp.float32),
            jax.ShapeDtypeStruct((ACC_R, D), jnp.float32),
            jax.ShapeDtypeStruct((ACC_R, D), jnp.float32),
        ],
        scratch_types=[
            pltpu.VMEM_SHARED((ACC_R, D), jnp.float32),
            pltpu.VMEM((IW, CH), jnp.int32),
            pltpu.VMEM((IW, CH), jnp.int32),
            pltpu.VMEM((CH, D), jnp.float32),
            pltpu.VMEM((CH, D), jnp.float32),
            pltpu.SemaphoreType.DMA,
            pltpu.SemaphoreType.DMA,
            pltpu.SemaphoreType.DMA,
        ],
    )(_body)
    x1p, p2a, p2b = k(x, src1, dst1, src2, dst2, zblk)

    blk = 1000
    return pl.pallas_call(
        _merge_body,
        grid=(N_NODES // blk,),
        in_specs=[
            pl.BlockSpec((blk, D), lambda i: (i, 0)),
            pl.BlockSpec((blk, D), lambda i: (i, 0)),
            pl.BlockSpec((blk, D), lambda i: (i, 0)),
        ],
        out_specs=pl.BlockSpec((blk, 2 * D), lambda i: (i, 0)),
        out_shape=jax.ShapeDtypeStruct((N_NODES, 2 * D), jnp.float32),
    )(x1p, p2a, p2b)


def kernel(x, edge_index, edge_index2):
    src1 = edge_index[0].astype(jnp.int32).reshape(E1 // CH, CH)
    dst1 = edge_index[1].astype(jnp.int32).reshape(E1 // CH, CH)
    src2 = edge_index2[0].astype(jnp.int32).reshape(E2 // CH, CH)
    dst2 = edge_index2[1].astype(jnp.int32).reshape(E2 // CH, CH)
    return _h2gcn(x, src1, dst1, src2, dst2)

# --- scband reference (transcript-rebuilt; emitter-appended) ---
"""Pipeline reference for scband-h2-gcnconv-7129645711842 (READ-ONLY COPY).

The authoritative reference and input builder live on the scoring server;
editing this copy changes nothing except your own understanding.
"""

import jax, jax.numpy as jnp
import numpy as np

N_NODES = 10000
D_FEAT = 128
E1 = 320000
E2 = 640000

def setup_inputs(seed: int = 0) -> dict:
    key = jax.random.key(seed)
    k_x, k_e1, k_e2 = jax.random.split(key, 3)
    x = jax.random.normal(k_x, (N_NODES, D_FEAT), dtype=jnp.float32)
    edge_index = jax.random.randint(k_e1, (2, E1), 0, N_NODES, dtype=jnp.int64)
    edge_index2 = jax.random.randint(k_e2, (2, E2), 0, N_NODES, dtype=jnp.int64)
    return {"x": x, "edge_index": edge_index, "edge_index2": edge_index2}

def _spmm(x, edge_index, num_nodes):
    # sparse adjacency matmul: out[dst] = sum_{(src,dst) in E} x[src]
    src = edge_index[0]
    dst = edge_index[1]
    gathered = jnp.take(x, src, axis=0)
    return jax.ops.segment_sum(gathered, dst, num_segments=num_nodes)

def reference(x, edge_index, edge_index2):
    # H2GCNConv: x1 = matmul(adj_t, x); x2 = matmul(adj_t2, x); cat along feature dim
    n = x.shape[0]
    x1 = _spmm(x, edge_index, n)
    x2 = _spmm(x, edge_index2, n)
    return jnp.concatenate([x1, x2], axis=1)

if __name__ == "__main__":
    import jax
    _d = setup_inputs()
    print(jax.jit(kernel)(*tuple(_d.values())))

</pallas_src>

<mosaic_0001>
#map = affine_map<(d0, d1) -> (0, 0)>
module attributes {stable_mosaic.version = 14 : i64} {
  func.func @_body(%arg0: i32, %arg1: i32, %arg2: memref<10000x128xf32, #tpu.memory_space<hbm>>, %arg3: memref<2560x125xi32, #tpu.memory_space<hbm>>, %arg4: memref<2560x125xi32, #tpu.memory_space<hbm>>, %arg5: memref<5120x125xi32, #tpu.memory_space<hbm>>, %arg6: memref<5120x125xi32, #tpu.memory_space<hbm>>, %arg7: memref<128x128xf32, #tpu.memory_space<hbm>>, %arg8: memref<10000x128xf32, #tpu.memory_space<hbm>>, %arg9: memref<10240x128xf32, #tpu.memory_space<hbm>>, %arg10: memref<10240x128xf32, #tpu.memory_space<hbm>>, %arg11: memref<10240x128xf32, #tpu.memory_space<vmem_shared>>, %arg12: memref<64x125xi32, #tpu.memory_space<vmem>>, %arg13: memref<64x125xi32, #tpu.memory_space<vmem>>, %arg14: memref<125x128xf32, #tpu.memory_space<vmem>>, %arg15: memref<125x128xf32, #tpu.memory_space<vmem>>, %arg16: memref<!tpu.dma_semaphore, #tpu.memory_space<semaphore_mem>>, %arg17: memref<!tpu.dma_semaphore, #tpu.memory_space<semaphore_mem>>, %arg18: memref<!tpu.dma_semaphore, #tpu.memory_space<semaphore_mem>>) attributes {dimension_semantics = [#tpu.dimension_semantics<core_parallel>, #tpu.dimension_semantics<subcore_parallel>], iteration_bounds = array<i64: 2, 16>, scalar_prefetch = 0 : i64, scratch_operands = 8 : i64, tpu.core_type = #tpu.core_type<sc_vector_subcore>, window_params = [{transform_indices = #map}, {transform_indices = #map}, {transform_indices = #map}, {transform_indices = #map}, {transform_indices = #map}, {transform_indices = #map}, {transform_indices = #map}, {transform_indices = #map}, {transform_indices = #map}]} {
    %scan3A = arith.constant 0 : i32
    %scan3A_0 = arith.constant 0 : i32
    %scan3A_1 = arith.constant 5 : i32
    %scan3A_2 = arith.addi %scan3A_0, %scan3A_1 : i32
    %scan3A_3 = arith.constant 1 : i32
    scf.for %scan3A_12 = %scan3A_0 to %scan3A_2 step %scan3A_3  : i32 {
      %mul3A = arith.constant 640 : i32
      %mul3A_13 = arith.muli %arg1, %mul3A : i32
      %mul3A_14 = arith.constant 128 : i32
      %mul3A_15 = arith.muli %scan3A_12, %mul3A_14 : i32
      %add3A = arith.addi %mul3A_13, %mul3A_15 : i32
      "tpu.region"() ({
        %run_scoped3A = tpu.sem_alloc : memref<!tpu.dma_semaphore, #tpu.memory_space<semaphore_mem>>
        %dma_start3A = arith.constant 0 : i32
        %dma_start3A_16 = tpu.memref_slice %arg11[%add3A, %dma_start3A] : memref<10240x128xf32, #tpu.memory_space<vmem_shared>> -> memref<128x128xf32, #tpu.memory_space<vmem_shared>>
        tpu.enqueue_dma source(%arg7 : memref<128x128xf32, #tpu.memory_space<hbm>>) target(%dma_start3A_16 : memref<128x128xf32, #tpu.memory_space<vmem_shared>>) target_semaphore(%run_scoped3A : memref<!tpu.dma_semaphore, #tpu.memory_space<semaphore_mem>>)
        %dma_wait3A = arith.constant 0 : i32
        %dma_wait3A_17 = tpu.memref_slice %arg11[%add3A, %dma_wait3A] : memref<10240x128xf32, #tpu.memory_space<vmem_shared>> -> memref<128x128xf32, #tpu.memory_space<vmem_shared>>
        tpu.wait_dma2 semaphore(%run_scoped3A : memref<!tpu.dma_semaphore, #tpu.memory_space<semaphore_mem>>) src(%arg7 : memref<128x128xf32, #tpu.memory_space<hbm>>) dst(%dma_wait3A_17 : memref<128x128xf32, #tpu.memory_space<vmem_shared>>)
        tpu.yield
      }) : () -> ()
    }
    %scan3A_4 = arith.constant 5 : i32
    %barrier3A = arith.constant 0 : index
    tpu.barrier barrier_id(%barrier3A)
    %eq3A = arith.constant 0 : i32
    %eq3A_5 = arith.cmpi eq, %arg0, %eq3A : i32
    %convert_element_type3A = arith.extui %eq3A_5 : i1 to i32
    %cond3A = arith.constant 0 : i32
    %cond3A_6 = arith.cmpi ne, %convert_element_type3A, %cond3A : i32
    scf.if %cond3A_6 {
      %mul3A = arith.constant 80 : i32
      %mul3A_12 = arith.muli %arg1, %mul3A : i32
      %add3A = arith.constant 3840 : i32
      %add3A_13 = arith.addi %add3A, %mul3A_12 : i32
      %add3A_14 = arith.constant 0 : i32
      %add3A_15 = arith.addi %add3A_13, %add3A_14 : i32
      %multiple_of3A = tpu.assume_multiple %add3A_15, 8 : i32
      %rem3A = arith.constant 0 : i32
      %rem3A_16 = arith.constant 64 : i32
      %rem3A_17 = arith.remsi %rem3A, %rem3A_16 : i32
      %multiple_of3A_18 = tpu.assume_multiple %rem3A_17, 8 : i32
      "tpu.region"() ({
        %run_scoped3A = tpu.sem_alloc : memref<!tpu.dma_semaphore, #tpu.memory_space<semaphore_mem>>
        %dma_start3A_105 = arith.constant 0 : i32
        %dma_start3A_106 = tpu.memref_slice %arg12[%multiple_of3A_18, %dma_start3A_105] : memref<64x125xi32, #tpu.memory_space<vmem>> -> memref<16x125xi32, #tpu.memory_space<vmem>>
        %dma_start3A_107 = arith.constant 0 : i32
        %dma_start3A_108 = tpu.memref_slice %arg5[%multiple_of3A, %dma_start3A_107] : memref<5120x125xi32, #tpu.memory_space<hbm>> -> memref<16x125xi32, #tpu.memory_space<hbm>>
        %dma_start3A_109 = arith.constant 0 : i32
        %dma_start3A_110 = tpu.memref_slice %arg12[%multiple_of3A_18, %dma_start3A_109] : memref<64x125xi32, #tpu.memory_space<vmem>> -> memref<16x125xi32, #tpu.memory_space<vmem>>
        %dma_start3A_111 = arith.constant 0 : i32
        %dma_start3A_112 = tpu.memref_slice %arg5[%multiple_of3A, %dma_start3A_111] : memref<5120x125xi32, #tpu.memory_space<hbm>> -> memref<16x125xi32, #tpu.memory_space<hbm>>
        tpu.enqueue_dma source(%dma_start3A_112 : memref<16x125xi32, #tpu.memory_space<hbm>>) target(%dma_start3A_110 : memref<16x125xi32, #tpu.memory_space<vmem>>) target_semaphore(%run_scoped3A : memref<!tpu.dma_semaphore, #tpu.memory_space<semaphore_mem>>)
        %dma_wait3A = arith.constant 0 : i32
        %dma_wait3A_113 = tpu.memref_slice %arg12[%multiple_of3A_18, %dma_wait3A] : memref<64x125xi32, #tpu.memory_space<vmem>> -> memref<16x125xi32, #tpu.memory_space<vmem>>
        %dma_wait3A_114 = arith.constant 0 : i32
        %dma_wait3A_115 = tpu.memref_slice %arg5[%multiple_of3A, %dma_wait3A_114] : memref<5120x125xi32, #tpu.memory_space<hbm>> -> memref<16x125xi32, #tpu.memory_space<hbm>>
        %dma_wait3A_116 = arith.constant 0 : i32
        %dma_wait3A_117 = tpu.memref_slice %arg12[%multiple_of3A_18, %dma_wait3A_116] : memref<64x125xi32, #tpu.memory_space<vmem>> -> memref<16x125xi32, #tpu.memory_space<vmem>>
        %dma_wait3A_118 = arith.constant 0 : i32
        %dma_wait3A_119 = tpu.memref_slice %arg5[%multiple_of3A, %dma_wait3A_118] : memref<5120x125xi32, #tpu.memory_space<hbm>> -> memref<16x125xi32, #tpu.memory_space<hbm>>
        tpu.wait_dma2 semaphore(%run_scoped3A : memref<!tpu.dma_semaphore, #tpu.memory_space<semaphore_mem>>) src(%dma_wait3A_119 : memref<16x125xi32, #tpu.memory_space<hbm>>) dst(%dma_wait3A_117 : memref<16x125xi32, #tpu.memory_space<vmem>>)
        tpu.yield
      }) : () -> ()
      "tpu.region"() ({
        %run_scoped3A = tpu.sem_alloc : memref<!tpu.dma_semaphore, #tpu.memory_space<semaphore_mem>>
        %dma_start3A_105 = arith.constant 0 : i32
        %dma_start3A_106 = tpu.memref_slice %arg13[%multiple_of3A_18, %dma_start3A_105] : memref<64x125xi32, #tpu.memory_space<vmem>> -> memref<16x125xi32, #tpu.memory_space<vmem>>
        %dma_start3A_107 = arith.constant 0 : i32
        %dma_start3A_108 = tpu.memref_slice %arg6[%multiple_of3A, %dma_start3A_107] : memref<5120x125xi32, #tpu.memory_space<hbm>> -> memref<16x125xi32, #tpu.memory_space<hbm>>
        %dma_start3A_109 = arith.constant 0 : i32
        %dma_start3A_110 = tpu.memref_slice %arg13[%multiple_of3A_18, %dma_start3A_109] : memref<64x125xi32, #tpu.memory_space<vmem>> -> memref<16x125xi32, #tpu.memory_space<vmem>>
        %dma_start3A_111 = arith.constant 0 : i32
        %dma_start3A_112 = tpu.memref_slice %arg6[%multiple_of3A, %dma_start3A_111] : memref<5120x125xi32, #tpu.memory_space<hbm>> -> memref<16x125xi32, #tpu.memory_space<hbm>>
        tpu.enqueue_dma source(%dma_start3A_112 : memref<16x125xi32, #tpu.memory_space<hbm>>) target(%dma_start3A_110 : memref<16x125xi32, #tpu.memory_space<vmem>>) target_semaphore(%run_scoped3A : memref<!tpu.dma_semaphore, #tpu.memory_space<semaphore_mem>>)
        %dma_wait3A = arith.constant 0 : i32
        %dma_wait3A_113 = tpu.memref_slice %arg13[%multiple_of3A_18, %dma_wait3A] : memref<64x125xi32, #tpu.memory_space<vmem>> -> memref<16x125xi32, #tpu.memory_space<vmem>>
        %dma_wait3A_114 = arith.constant 0 : i32
        %dma_wait3A_115 = tpu.memref_slice %arg6[%multiple_of3A, %dma_wait3A_114] : memref<5120x125xi32, #tpu.memory_space<hbm>> -> memref<16x125xi32, #tpu.memory_space<hbm>>
        %dma_wait3A_116 = arith.constant 0 : i32
        %dma_wait3A_117 = tpu.memref_slice %arg13[%multiple_of3A_18, %dma_wait3A_116] : memref<64x125xi32, #tpu.memory_space<vmem>> -> memref<16x125xi32, #tpu.memory_space<vmem>>
        %dma_wait3A_118 = arith.constant 0 : i32
        %dma_wait3A_119 = tpu.memref_slice %arg6[%multiple_of3A, %dma_wait3A_118] : memref<5120x125xi32, #tpu.memory_space<hbm>> -> memref<16x125xi32, #tpu.memory_space<hbm>>
        tpu.wait_dma2 semaphore(%run_scoped3A : memref<!tpu.dma_semaphore, #tpu.memory_space<semaphore_mem>>) src(%dma_wait3A_119 : memref<16x125xi32, #tpu.memory_space<hbm>>) dst(%dma_wait3A_117 : memref<16x125xi32, #tpu.memory_space<vmem>>)
        tpu.yield
      }) : () -> ()
      %add3A_19 = arith.constant 16 : i32
      %add3A_20 = arith.addi %add3A_13, %add3A_19 : i32
      %multiple_of3A_21 = tpu.assume_multiple %add3A_20, 8 : i32
      %rem3A_22 = arith.constant 16 : i32
      %rem3A_23 = arith.constant 64 : i32
      %rem3A_24 = arith.remsi %rem3A_22, %rem3A_23 : i32
      %multiple_of3A_25 = tpu.assume_multiple %rem3A_24, 8 : i32
      "tpu.region"() ({
        %run_scoped3A = tpu.sem_alloc : memref<!tpu.dma_semaphore, #tpu.memory_space<semaphore_mem>>
        %dma_start3A_105 = arith.constant 0 : i32
        %dma_start3A_106 = tpu.memref_slice %arg12[%multiple_of3A_25, %dma_start3A_105] : memref<64x125xi32, #tpu.memory_space<vmem>> -> memref<16x125xi32, #tpu.memory_space<vmem>>
        %dma_start3A_107 = arith.constant 0 : i32
        %dma_start3A_108 = tpu.memref_slice %arg5[%multiple_of3A_21, %dma_start3A_107] : memref<5120x125xi32, #tpu.memory_space<hbm>> -> memref<16x125xi32, #tpu.memory_space<hbm>>
        %dma_start3A_109 = arith.constant 0 : i32
        %dma_start3A_110 = tpu.memref_slice %arg12[%multiple_of3A_25, %dma_start3A_109] : memref<64x125xi32, #tpu.memory_space<vmem>> -> memref<16x125xi32, #tpu.memory_space<vmem>>
        %dma_start3A_111 = arith.constant 0 : i32
        %dma_start3A_112 = tpu.memref_slice %arg5[%multiple_of3A_21, %dma_start3A_111] : memref<5120x125xi32, #tpu.memory_space<hbm>> -> memref<16x125xi32, #tpu.memory_space<hbm>>
        tpu.enqueue_dma source(%dma_start3A_112 : memref<16x125xi32, #tpu.memory_space<hbm>>) target(%dma_start3A_110 : memref<16x125xi32, #tpu.memory_space<vmem>>) target_semaphore(%run_scoped3A : memref<!tpu.dma_semaphore, #tpu.memory_space<semaphore_mem>>)
        %dma_wait3A = arith.constant 0 : i32
        %dma_wait3A_113 = tpu.memref_slice %arg12[%multiple_of3A_25, %dma_wait3A] : memref<64x125xi32, #tpu.memory_space<vmem>> -> memref<16x125xi32, #tpu.memory_space<vmem>>
        %dma_wait3A_114 = arith.constant 0 : i32
        %dma_wait3A_115 = tpu.memref_slice %arg5[%multiple_of3A_21, %dma_wait3A_114] : memref<5120x125xi32, #tpu.memory_space<hbm>> -> memref<16x125xi32, #tpu.memory_space<hbm>>
        %dma_wait3A_116 = arith.constant 0 : i32
        %dma_wait3A_117 = tpu.memref_slice %arg12[%multiple_of3A_25, %dma_wait3A_116] : memref<64x125xi32, #tpu.memory_space<vmem>> -> memref<16x125xi32, #tpu.memory_space<vmem>>
        %dma_wait3A_118 = arith.constant 0 : i32
        %dma_wait3A_119 = tpu.memref_slice %arg5[%multiple_of3A_21, %dma_wait3A_118] : memref<5120x125xi32, #tpu.memory_space<hbm>> -> memref<16x125xi32, #tpu.memory_space<hbm>>
        tpu.wait_dma2 semaphore(%run_scoped3A : memref<!tpu.dma_semaphore, #tpu.memory_space<semaphore_mem>>) src(%dma_wait3A_119 : memref<16x125xi32, #tpu.memory_space<hbm>>) dst(%dma_wait3A_117 : memref<16x125xi32, #tpu.memory_space<vmem>>)
        tpu.yield
      }) : () -> ()
      "tpu.region"() ({
        %run_scoped3A = tpu.sem_alloc : memref<!tpu.dma_semaphore, #tpu.memory_space<semaphore_mem>>
        %dma_start3A_105 = arith.constant 0 : i32
        %dma_start3A_106 = tpu.memref_slice %arg13[%multiple_of3A_25, %dma_start3A_105] : memref<64x125xi32, #tpu.memory_space<vmem>> -> memref<16x125xi32, #tpu.memory_space<vmem>>
        %dma_start3A_107 = arith.constant 0 : i32
        %dma_start3A_108 = tpu.memref_slice %arg6[%multiple_of3A_21, %dma_start3A_107] : memref<5120x125xi32, #tpu.memory_space<hbm>> -> memref<16x125xi32, #tpu.memory_space<hbm>>
        %dma_start3A_109 = arith.constant 0 : i32
        %dma_start3A_110 = tpu.memref_slice %arg13[%multiple_of3A_25, %dma_start3A_109] : memref<64x125xi32, #tpu.memory_space<vmem>> -> memref<16x125xi32, #tpu.memory_space<vmem>>
        %dma_start3A_111 = arith.constant 0 : i32
        %dma_start3A_112 = tpu.memref_slice %arg6[%multiple_of3A_21, %dma_start3A_111] : memref<5120x125xi32, #tpu.memory_space<hbm>> -> memref<16x125xi32, #tpu.memory_space<hbm>>
        tpu.enqueue_dma source(%dma_start3A_112 : memref<16x125xi32, #tpu.memory_space<hbm>>) target(%dma_start3A_110 : memref<16x125xi32, #tpu.memory_space<vmem>>) target_semaphore(%run_scoped3A : memref<!tpu.dma_semaphore, #tpu.memory_space<semaphore_mem>>)
        %dma_wait3A = arith.constant 0 : i32
        %dma_wait3A_113 = tpu.memref_slice %arg13[%multiple_of3A_25, %dma_wait3A] : memref<64x125xi32, #tpu.memory_space<vmem>> -> memref<16x125xi32, #tpu.memory_space<vmem>>
        %dma_wait3A_114 = arith.constant 0 : i32
        %dma_wait3A_115 = tpu.memref_slice %arg6[%multiple_of3A_21, %dma_wait3A_114] : memref<5120x125xi32, #tpu.memory_space<hbm>> -> memref<16x125xi32, #tpu.memory_space<hbm>>
        %dma_wait3A_116 = arith.constant 0 : i32
        %dma_wait3A_117 = tpu.memref_slice %arg13[%multiple_of3A_25, %dma_wait3A_116] : memref<64x125xi32, #tpu.memory_space<vmem>> -> memref<16x125xi32, #tpu.memory_space<vmem>>
        %dma_wait3A_118 = arith.constant 0 : i32
        %dma_wait3A_119 = tpu.memref_slice %arg6[%multiple_of3A_21, %dma_wait3A_118] : memref<5120x125xi32, #tpu.memory_space<hbm>> -> memref<16x125xi32, #tpu.memory_space<hbm>>
        tpu.wait_dma2 semaphore(%run_scoped3A : memref<!tpu.dma_semaphore, #tpu.memory_space<semaphore_mem>>) src(%dma_wait3A_119 : memref<16x125xi32, #tpu.memory_space<hbm>>) dst(%dma_wait3A_117 : memref<16x125xi32, #tpu.memory_space<vmem>>)
        tpu.yield
      }) : () -> ()
      %dma_start3A = arith.constant 0 : i32
      %dma_start3A_26 = arith.constant 0 : i32
      %dma_start3A_27 = tpu.memref_slice %arg12[%dma_start3A, %dma_start3A_26] : memref<64x125xi32, #tpu.memory_space<vmem>> -> memref<1x125xi32, #tpu.memory_space<vmem>>
      %dma_start3A_28 = tpu.memref_squeeze %dma_start3A_27 : memref<1x125xi32, #tpu.memory_space<vmem>> -> memref<125xi32, #tpu.memory_space<vmem>>
      %dma_start3A_29 = arith.constant 0 : i32
      %dma_start3A_30 = arith.constant 0 : i32
      %dma_start3A_31 = tpu.memref_slice %arg2[%dma_start3A_29, %dma_start3A_30] : memref<10000x128xf32, #tpu.memory_space<hbm>> -> memref<10000x128xf32, #tpu.memory_space<hbm>>
      tpu.enqueue_indirect_dma source(%dma_start3A_31 : memref<10000x128xf32, #tpu.memory_space<hbm>>) target(%arg14 : memref<125x128xf32, #tpu.memory_space<vmem>>) offsets(%dma_start3A_28 : memref<125xi32, #tpu.memory_space<vmem>>) semaphore(%arg16 : memref<!tpu.dma_semaphore, #tpu.memory_space<semaphore_mem>>)
      %dma_start3A_32 = arith.constant 1 : i32
      %dma_start3A_33 = arith.constant 0 : i32
      %dma_start3A_34 = tpu.memref_slice %arg12[%dma_start3A_32, %dma_start3A_33] : memref<64x125xi32, #tpu.memory_space<vmem>> -> memref<1x125xi32, #tpu.memory_space<vmem>>
      %dma_start3A_35 = tpu.memref_squeeze %dma_start3A_34 : memref<1x125xi32, #tpu.memory_space<vmem>> -> memref<125xi32, #tpu.memory_space<vmem>>
      %dma_start3A_36 = arith.constant 0 : i32
      %dma_start3A_37 = arith.constant 0 : i32
      %dma_start3A_38 = tpu.memref_slice %arg2[%dma_start3A_36, %dma_start3A_37] : memref<10000x128xf32, #tpu.memory_space<hbm>> -> memref<10000x128xf32, #tpu.memory_space<hbm>>
      tpu.enqueue_indirect_dma source(%dma_start3A_38 : memref<10000x128xf32, #tpu.memory_space<hbm>>) target(%arg15 : memref<125x128xf32, #tpu.memory_space<vmem>>) offsets(%dma_start3A_35 : memref<125xi32, #tpu.memory_space<vmem>>) semaphore(%arg17 : memref<!tpu.dma_semaphore, #tpu.memory_space<semaphore_mem>>)
      %scan3A_39 = arith.constant 0 : i32
      %scan3A_40 = arith.constant 0 : i32
      %scan3A_41 = arith.constant 40 : i32
      %scan3A_42 = arith.addi %scan3A_40, %scan3A_41 : i32
      %scan3A_43 = arith.constant 1 : i32
      scf.for %scan3A_105 = %scan3A_40 to %scan3A_42 step %scan3A_43  : i32 {
        %mul3A_106 = arith.constant 2 : i32
        %mul3A_107 = arith.muli %scan3A_105, %mul3A_106 : i32
        %add3A_108 = arith.constant 0 : i32
        %add3A_109 = arith.addi %mul3A_107, %add3A_108 : i32
        %rem3A_110 = arith.constant 64 : i32
        %rem3A_111 = arith.remsi %add3A_109, %rem3A_110 : i32
        %dma_wait3A = arith.constant 0 : i32
        %dma_wait3A_112 = tpu.memref_slice %arg12[%rem3A_111, %dma_wait3A] : memref<64x125xi32, #tpu.memory_space<vmem>> -> memref<1x125xi32, #tpu.memory_space<vmem>>
        %dma_wait3A_113 = tpu.memref_squeeze %dma_wait3A_112 : memref<1x125xi32, #tpu.memory_space<vmem>> -> memref<125xi32, #tpu.memory_space<vmem>>
        %dma_wait3A_114 = arith.constant 0 : i32
        %dma_wait3A_115 = arith.constant 0 : i32
        %dma_wait3A_116 = tpu.memref_slice %arg2[%dma_wait3A_114, %dma_wait3A_115] : memref<10000x128xf32, #tpu.memory_space<hbm>> -> memref<10000x128xf32, #tpu.memory_space<hbm>>
        tpu.wait_indirect_dma semaphore(%arg16 : memref<!tpu.dma_semaphore, #tpu.memory_space<semaphore_mem>>) src(%dma_wait3A_116 : memref<10000x128xf32, #tpu.memory_space<hbm>>) dst(%arg14 : memref<125x128xf32, #tpu.memory_space<vmem>>)
        "tpu.region"() ({
          %run_scoped3A = tpu.sem_alloc : memref<!tpu.dma_semaphore, #tpu.memory_space<semaphore_mem>>
          %dma_start3A_166 = arith.constant 0 : i32
          %dma_start3A_167 = tpu.memref_slice %arg13[%rem3A_111, %dma_start3A_166] : memref<64x125xi32, #tpu.memory_space<vmem>> -> memref<1x125xi32, #tpu.memory_space<vmem>>
          %dma_start3A_168 = tpu.memref_squeeze %dma_start3A_167 : memref<1x125xi32, #tpu.memory_space<vmem>> -> memref<125xi32, #tpu.memory_space<vmem>>
          %dma_start3A_169 = arith.constant 0 : i32
          %dma_start3A_170 = arith.constant 0 : i32
          %dma_start3A_171 = tpu.memref_slice %arg11[%dma_start3A_169, %dma_start3A_170] : memref<10240x128xf32, #tpu.memory_space<vmem_shared>> -> memref<10240x128xf32, #tpu.memory_space<vmem_shared>>
          tpu.enqueue_indirect_dma source(%arg14 : memref<125x128xf32, #tpu.memory_space<vmem>>) target(%dma_start3A_171 : memref<10240x128xf32, #tpu.memory_space<vmem_shared>>) offsets(%dma_start3A_168 : memref<125xi32, #tpu.memory_space<vmem>>) semaphore(%run_scoped3A : memref<!tpu.dma_semaphore, #tpu.memory_space<semaphore_mem>>) {add = true}
          %dma_wait3A_172 = arith.constant 0 : i32
          %dma_wait3A_173 = tpu.memref_slice %arg13[%rem3A_111, %dma_wait3A_172] : memref<64x125xi32, #tpu.memory_space<vmem>> -> memref<1x125xi32, #tpu.memory_space<vmem>>
          %dma_wait3A_174 = tpu.memref_squeeze %dma_wait3A_173 : memref<1x125xi32, #tpu.memory_space<vmem>> -> memref<125xi32, #tpu.memory_space<vmem>>
          %dma_wait3A_175 = arith.constant 0 : i32
          %dma_wait3A_176 = arith.constant 0 : i32
          %dma_wait3A_177 = tpu.memref_slice %arg11[%dma_wait3A_175, %dma_wait3A_176] : memref<10240x128xf32, #tpu.memory_space<vmem_shared>> -> memref<10240x128xf32, #tpu.memory_space<vmem_shared>>
          tpu.wait_indirect_dma semaphore(%run_scoped3A : memref<!tpu.dma_semaphore, #tpu.memory_space<semaphore_mem>>) src(%arg14 : memref<125x128xf32, #tpu.memory_space<vmem>>) dst(%dma_wait3A_177 : memref<10240x128xf32, #tpu.memory_space<vmem_shared>>)
          tpu.yield
        }) : () -> ()
        %add3A_117 = arith.constant 2 : i32
        %add3A_118 = arith.addi %add3A_109, %add3A_117 : i32
        %rem3A_119 = arith.constant 64 : i32
        %rem3A_120 = arith.remsi %add3A_118, %rem3A_119 : i32
        %rem3A_121 = arith.constant 16 : i32
        %rem3A_122 = arith.remsi %add3A_118, %rem3A_121 : i32
        %eq3A_123 = arith.constant 0 : i32
        %eq3A_124 = arith.cmpi eq, %rem3A_122, %eq3A_123 : i32
        %lt3A_125 = arith.constant 80 : i32
        %lt3A_126 = arith.cmpi slt, %add3A_118, %lt3A_125 : i32
        %and3A = arith.andi %eq3A_124, %lt3A_126 : i1
        %convert_element_type3A_127 = arith.extui %and3A : i1 to i32
        %cond3A_128 = arith.constant 0 : i32
        %cond3A_129 = arith.cmpi ne, %convert_element_type3A_127, %cond3A_128 : i32
        scf.if %cond3A_129 {
          %ge3A = arith.constant 32 : i32
          %ge3A_166 = arith.cmpi sge, %add3A_118, %ge3A : i32
          %convert_element_type3A_167 = arith.extui %ge3A_166 : i1 to i32
          %cond3A_168 = arith.constant 0 : i32
          %cond3A_169 = arith.cmpi ne, %convert_element_type3A_167, %cond3A_168 : i32
          scf.if %cond3A_169 {
            %add3A_177 = arith.addi %add3A_13, %add3A_118 : i32
            %multiple_of3A_178 = tpu.assume_multiple %add3A_177, 8 : i32
            %rem3A_179 = arith.constant 64 : i32
            %rem3A_180 = arith.remsi %add3A_118, %rem3A_179 : i32
            %multiple_of3A_181 = tpu.assume_multiple %rem3A_180, 8 : i32
            %dma_wait3A_182 = arith.constant 0 : i32
            %dma_wait3A_183 = tpu.memref_slice %arg12[%multiple_of3A_181, %dma_wait3A_182] : memref<64x125xi32, #tpu.memory_space<vmem>> -> memref<16x125xi32, #tpu.memory_space<vmem>>
            %dma_wait3A_184 = arith.constant 0 : i32
            %dma_wait3A_185 = tpu.memref_slice %arg5[%multiple_of3A_178, %dma_wait3A_184] : memref<5120x125xi32, #tpu.memory_space<hbm>> -> memref<16x125xi32, #tpu.memory_space<hbm>>
            %dma_wait3A_186 = arith.constant 0 : i32
            %dma_wait3A_187 = tpu.memref_slice %arg12[%multiple_of3A_181, %dma_wait3A_186] : memref<64x125xi32, #tpu.memory_space<vmem>> -> memref<16x125xi32, #tpu.memory_space<vmem>>
            %dma_wait3A_188 = arith.constant 0 : i32
            %dma_wait3A_189 = tpu.memref_slice %arg5[%multiple_of3A_178, %dma_wait3A_188] : memref<5120x125xi32, #tpu.memory_space<hbm>> -> memref<16x125xi32, #tpu.memory_space<hbm>>
            tpu.wait_dma2 semaphore(%arg18 : memref<!tpu.dma_semaphore, #tpu.memory_space<semaphore_mem>>) src(%dma_wait3A_189 : memref<16x125xi32, #tpu.memory_space<hbm>>) dst(%dma_wait3A_187 : memref<16x125xi32, #tpu.memory_space<vmem>>)
            %dma_wait3A_190 = arith.constant 0 : i32
            %dma_wait3A_191 = tpu.memref_slice %arg13[%multiple_of3A_181, %dma_wait3A_190] : memref<64x125xi32, #tpu.memory_space<vmem>> -> memref<16x125xi32, #tpu.memory_space<vmem>>
            %dma_wait3A_192 = arith.constant 0 : i32
            %dma_wait3A_193 = tpu.memref_slice %arg6[%multiple_of3A_178, %dma_wait3A_192] : memref<5120x125xi32, #tpu.memory_space<hbm>> -> memref<16x125xi32, #tpu.memory_space<hbm>>
            %dma_wait3A_194 = arith.constant 0 : i32
            %dma_wait3A_195 = tpu.memref_slice %arg13[%multiple_of3A_181, %dma_wait3A_194] : memref<64x125xi32, #tpu.memory_space<vmem>> -> memref<16x125xi32, #tpu.memory_space<vmem>>
            %dma_wait3A_196 = arith.constant 0 : i32
            %dma_wait3A_197 = tpu.memref_slice %arg6[%multiple_of3A_178, %dma_wait3A_196] : memref<5120x125xi32, #tpu.memory_space<hbm>> -> memref<16x125xi32, #tpu.memory_space<hbm>>
            tpu.wait_dma2 semaphore(%arg18 : memref<!tpu.dma_semaphore, #tpu.memory_space<semaphore_mem>>) src(%dma_wait3A_197 : memref<16x125xi32, #tpu.memory_space<hbm>>) dst(%dma_wait3A_195 : memref<16x125xi32, #tpu.memory_space<vmem>>)
          } else {
          }
          %add3A_170 = arith.constant 16 : i32
          %add3A_171 = arith.addi %add3A_118, %add3A_170 : i32
          %lt3A_172 = arith.constant 80 : i32
          %lt3A_173 = arith.cmpi slt, %add3A_171, %lt3A_172 : i32
          %convert_element_type3A_174 = arith.extui %lt3A_173 : i1 to i32
          %cond3A_175 = arith.constant 0 : i32
          %cond3A_176 = arith.cmpi ne, %convert_element_type3A_174, %cond3A_175 : i32
          scf.if %cond3A_176 {
            %add3A_177 = arith.constant 16 : i32
            %add3A_178 = arith.addi %add3A_118, %add3A_177 : i32
            %add3A_179 = arith.addi %add3A_13, %add3A_178 : i32
            %multiple_of3A_180 = tpu.assume_multiple %add3A_179, 8 : i32
            %rem3A_181 = arith.constant 64 : i32
            %rem3A_182 = arith.remsi %add3A_178, %rem3A_181 : i32
            %multiple_of3A_183 = tpu.assume_multiple %rem3A_182, 8 : i32
            %dma_start3A_184 = arith.constant 0 : i32
            %dma_start3A_185 = tpu.memref_slice %arg12[%multiple_of3A_183, %dma_start3A_184] : memref<64x125xi32, #tpu.memory_space<vmem>> -> memref<16x125xi32, #tpu.memory_space<vmem>>
            %dma_start3A_186 = arith.constant 0 : i32
            %dma_start3A_187 = tpu.memref_slice %arg5[%multiple_of3A_180, %dma_start3A_186] : memref<5120x125xi32, #tpu.memory_space<hbm>> -> memref<16x125xi32, #tpu.memory_space<hbm>>
            %dma_start3A_188 = arith.constant 0 : i32
            %dma_start3A_189 = tpu.memref_slice %arg12[%multiple_of3A_183, %dma_start3A_188] : memref<64x125xi32, #tpu.memory_space<vmem>> -> memref<16x125xi32, #tpu.memory_space<vmem>>
            %dma_start3A_190 = arith.constant 0 : i32
            %dma_start3A_191 = tpu.memref_slice %arg5[%multiple_of3A_180, %dma_start3A_190] : memref<5120x125xi32, #tpu.memory_space<hbm>> -> memref<16x125xi32, #tpu.memory_space<hbm>>
            tpu.enqueue_dma source(%dma_start3A_191 : memref<16x125xi32, #tpu.memory_space<hbm>>) target(%dma_start3A_189 : memref<16x125xi32, #tpu.memory_space<vmem>>) target_semaphore(%arg18 : memref<!tpu.dma_semaphore, #tpu.memory_space<semaphore_mem>>)
            %dma_start3A_192 = arith.constant 0 : i32
            %dma_start3A_193 = tpu.memref_slice %arg13[%multiple_of3A_183, %dma_start3A_192] : memref<64x125xi32, #tpu.memory_space<vmem>> -> memref<16x125xi32, #tpu.memory_space<vmem>>
            %dma_start3A_194 = arith.constant 0 : i32
            %dma_start3A_195 = tpu.memref_slice %arg6[%multiple_of3A_180, %dma_start3A_194] : memref<5120x125xi32, #tpu.memory_space<hbm>> -> memref<16x125xi32, #tpu.memory_space<hbm>>
            %dma_start3A_196 = arith.constant 0 : i32
            %dma_start3A_197 = tpu.memref_slice %arg13[%multiple_of3A_183, %dma_start3A_196] : memref<64x125xi32, #tpu.memory_space<vmem>> -> memref<16x125xi32, #tpu.memory_space<vmem>>
            %dma_start3A_198 = arith.constant 0 : i32
            %dma_start3A_199 = tpu.memref_slice %arg6[%multiple_of3A_180, %dma_start3A_198] : memref<5120x125xi32, #tpu.memory_space<hbm>> -> memref<16x125xi32, #tpu.memory_space<hbm>>
            tpu.enqueue_dma source(%dma_start3A_199 : memref<16x125xi32, #tpu.memory_space<hbm>>) target(%dma_start3A_197 : memref<16x125xi32, #tpu.memory_space<vmem>>) target_semaphore(%arg18 : memref<!tpu.dma_semaphore, #tpu.memory_space<semaphore_mem>>)
          } else {
          }
        } else {
        }
        %lt3A_130 = arith.constant 80 : i32
        %lt3A_131 = arith.cmpi slt, %add3A_118, %lt3A_130 : i32
        %convert_element_type3A_132 = arith.extui %lt3A_131 : i1 to i32
        %cond3A_133 = arith.constant 0 : i32
        %cond3A_134 = arith.cmpi ne, %convert_element_type3A_132, %cond3A_133 : i32
        scf.if %cond3A_134 {
          %dma_start3A_166 = arith.constant 0 : i32
          %dma_start3A_167 = tpu.memref_slice %arg12[%rem3A_120, %dma_start3A_166] : memref<64x125xi32, #tpu.memory_space<vmem>> -> memref<1x125xi32, #tpu.memory_space<vmem>>
          %dma_start3A_168 = tpu.memref_squeeze %dma_start3A_167 : memref<1x125xi32, #tpu.memory_space<vmem>> -> memref<125xi32, #tpu.memory_space<vmem>>
          %dma_start3A_169 = arith.constant 0 : i32
          %dma_start3A_170 = arith.constant 0 : i32
          %dma_start3A_171 = tpu.memref_slice %arg2[%dma_start3A_169, %dma_start3A_170] : memref<10000x128xf32, #tpu.memory_space<hbm>> -> memref<10000x128xf32, #tpu.memory_space<hbm>>
          tpu.enqueue_indirect_dma source(%dma_start3A_171 : memref<10000x128xf32, #tpu.memory_space<hbm>>) target(%arg14 : memref<125x128xf32, #tpu.memory_space<vmem>>) offsets(%dma_start3A_168 : memref<125xi32, #tpu.memory_space<vmem>>) semaphore(%arg16 : memref<!tpu.dma_semaphore, #tpu.memory_space<semaphore_mem>>)
        } else {
        }
        %mul3A_135 = arith.constant 2 : i32
        %mul3A_136 = arith.muli %scan3A_105, %mul3A_135 : i32
        %add3A_137 = arith.constant 1 : i32
        %add3A_138 = arith.addi %mul3A_136, %add3A_137 : i32
        %rem3A_139 = arith.constant 64 : i32
        %rem3A_140 = arith.remsi %add3A_138, %rem3A_139 : i32
        %dma_wait3A_141 = arith.constant 0 : i32
        %dma_wait3A_142 = tpu.memref_slice %arg12[%rem3A_140, %dma_wait3A_141] : memref<64x125xi32, #tpu.memory_space<vmem>> -> memref<1x125xi32, #tpu.memory_space<vmem>>
        %dma_wait3A_143 = tpu.memref_squeeze %dma_wait3A_142 : memref<1x125xi32, #tpu.memory_space<vmem>> -> memref<125xi32, #tpu.memory_space<vmem>>
        %dma_wait3A_144 = arith.constant 0 : i32
        %dma_wait3A_145 = arith.constant 0 : i32
        %dma_wait3A_146 = tpu.memref_slice %arg2[%dma_wait3A_144, %dma_wait3A_145] : memref<10000x128xf32, #tpu.memory_space<hbm>> -> memref<10000x128xf32, #tpu.memory_space<hbm>>
        tpu.wait_indirect_dma semaphore(%arg17 : memref<!tpu.dma_semaphore, #tpu.memory_space<semaphore_mem>>) src(%dma_wait3A_146 : memref<10000x128xf32, #tpu.memory_space<hbm>>) dst(%arg15 : memref<125x128xf32, #tpu.memory_space<vmem>>)
        "tpu.region"() ({
          %run_scoped3A = tpu.sem_alloc : memref<!tpu.dma_semaphore, #tpu.memory_space<semaphore_mem>>
          %dma_start3A_166 = arith.constant 0 : i32
          %dma_start3A_167 = tpu.memref_slice %arg13[%rem3A_140, %dma_start3A_166] : memref<64x125xi32, #tpu.memory_space<vmem>> -> memref<1x125xi32, #tpu.memory_space<vmem>>
          %dma_start3A_168 = tpu.memref_squeeze %dma_start3A_167 : memref<1x125xi32, #tpu.memory_space<vmem>> -> memref<125xi32, #tpu.memory_space<vmem>>
          %dma_start3A_169 = arith.constant 0 : i32
          %dma_start3A_170 = arith.constant 0 : i32
          %dma_start3A_171 = tpu.memref_slice %arg11[%dma_start3A_169, %dma_start3A_170] : memref<10240x128xf32, #tpu.memory_space<vmem_shared>> -> memref<10240x128xf32, #tpu.memory_space<vmem_shared>>
          tpu.enqueue_indirect_dma source(%arg15 : memref<125x128xf32, #tpu.memory_space<vmem>>) target(%dma_start3A_171 : memref<10240x128xf32, #tpu.memory_space<vmem_shared>>) offsets(%dma_start3A_168 : memref<125xi32, #tpu.memory_space<vmem>>) semaphore(%run_scoped3A : memref<!tpu.dma_semaphore, #tpu.memory_space<semaphore_mem>>) {add = true}
          %dma_wait3A_172 = arith.constant 0 : i32
          %dma_wait3A_173 = tpu.memref_slice %arg13[%rem3A_140, %dma_wait3A_172] : memref<64x125xi32, #tpu.memory_space<vmem>> -> memref<1x125xi32, #tpu.memory_space<vmem>>
          %dma_wait3A_174 = tpu.memref_squeeze %dma_wait3A_173 : memref<1x125xi32, #tpu.memory_space<vmem>> -> memref<125xi32, #tpu.memory_space<vmem>>
          %dma_wait3A_175 = arith.constant 0 : i32
          %dma_wait3A_176 = arith.constant 0 : i32
          %dma_wait3A_177 = tpu.memref_slice %arg11[%dma_wait3A_175, %dma_wait3A_176] : memref<10240x128xf32, #tpu.memory_space<vmem_shared>> -> memref<10240x128xf32, #tpu.memory_space<vmem_shared>>
          tpu.wait_indirect_dma semaphore(%run_scoped3A : memref<!tpu.dma_semaphore, #tpu.memory_space<semaphore_mem>>) src(%arg15 : memref<125x128xf32, #tpu.memory_space<vmem>>) dst(%dma_wait3A_177 : memref<10240x128xf32, #tpu.memory_space<vmem_shared>>)
          tpu.yield
        }) : () -> ()
        %add3A_147 = arith.constant 2 : i32
        %add3A_148 = arith.addi %add3A_138, %add3A_147 : i32
        %rem3A_149 = arith.constant 64 : i32
        %rem3A_150 = arith.remsi %add3A_148, %rem3A_149 : i32
        %rem3A_151 = arith.constant 16 : i32
        %rem3A_152 = arith.remsi %add3A_148, %rem3A_151 : i32
        %eq3A_153 = arith.constant 0 : i32
        %eq3A_154 = arith.cmpi eq, %rem3A_152, %eq3A_153 : i32
        %lt3A_155 = arith.constant 80 : i32
        %lt3A_156 = arith.cmpi slt, %add3A_148, %lt3A_155 : i32
        %and3A_157 = arith.andi %eq3A_154, %lt3A_156 : i1
        %convert_element_type3A_158 = arith.extui %and3A_157 : i1 to i32
        %cond3A_159 = arith.constant 0 : i32
        %cond3A_160 = arith.cmpi ne, %convert_element_type3A_158, %cond3A_159 : i32
        scf.if %cond3A_160 {
          %ge3A = arith.constant 32 : i32
          %ge3A_166 = arith.cmpi sge, %add3A_148, %ge3A : i32
          %convert_element_type3A_167 = arith.extui %ge3A_166 : i1 to i32
          %cond3A_168 = arith.constant 0 : i32
          %cond3A_169 = arith.cmpi ne, %convert_element_type3A_167, %cond3A_168 : i32
          scf.if %cond3A_169 {
            %add3A_177 = arith.addi %add3A_13, %add3A_148 : i32
            %multiple_of3A_178 = tpu.assume_multiple %add3A_177, 8 : i32
            %rem3A_179 = arith.constant 64 : i32
            %rem3A_180 = arith.remsi %add3A_148, %rem3A_179 : i32
            %multiple_of3A_181 = tpu.assume_multiple %rem3A_180, 8 : i32
            %dma_wait3A_182 = arith.constant 0 : i32
            %dma_wait3A_183 = tpu.memref_slice %arg12[%multiple_of3A_181, %dma_wait3A_182] : memref<64x125xi32, #tpu.memory_space<vmem>> -> memref<16x125xi32, #tpu.memory_space<vmem>>
            %dma_wait3A_184 = arith.constant 0 : i32
            %dma_wait3A_185 = tpu.memref_slice %arg5[%multiple_of3A_178, %dma_wait3A_184] : memref<5120x125xi32, #tpu.memory_space<hbm>> -> memref<16x125xi32, #tpu.memory_space<hbm>>
            %dma_wait3A_186 = arith.constant 0 : i32
            %dma_wait3A_187 = tpu.memref_slice %arg12[%multiple_of3A_181, %dma_wait3A_186] : memref<64x125xi32, #tpu.memory_space<vmem>> -> memref<16x125xi32, #tpu.memory_space<vmem>>
            %dma_wait3A_188 = arith.constant 0 : i32
            %dma_wait3A_189 = tpu.memref_slice %arg5[%multiple_of3A_178, %dma_wait3A_188] : memref<5120x125xi32, #tpu.memory_space<hbm>> -> memref<16x125xi32, #tpu.memory_space<hbm>>
            tpu.wait_dma2 semaphore(%arg18 : memref<!tpu.dma_semaphore, #tpu.memory_space<semaphore_mem>>) src(%dma_wait3A_189 : memref<16x125xi32, #tpu.memory_space<hbm>>) dst(%dma_wait3A_187 : memref<16x125xi32, #tpu.memory_space<vmem>>)
            %dma_wait3A_190 = arith.constant 0 : i32
            %dma_wait3A_191 = tpu.memref_slice %arg13[%multiple_of3A_181, %dma_wait3A_190] : memref<64x125xi32, #tpu.memory_space<vmem>> -> memref<16x125xi32, #tpu.memory_space<vmem>>
            %dma_wait3A_192 = arith.constant 0 : i32
            %dma_wait3A_193 = tpu.memref_slice %arg6[%multiple_of3A_178, %dma_wait3A_192] : memref<5120x125xi32, #tpu.memory_space<hbm>> -> memref<16x125xi32, #tpu.memory_space<hbm>>
            %dma_wait3A_194 = arith.constant 0 : i32
            %dma_wait3A_195 = tpu.memref_slice %arg13[%multiple_of3A_181, %dma_wait3A_194] : memref<64x125xi32, #tpu.memory_space<vmem>> -> memref<16x125xi32, #tpu.memory_space<vmem>>
            %dma_wait3A_196 = arith.constant 0 : i32
            %dma_wait3A_197 = tpu.memref_slice %arg6[%multiple_of3A_178, %dma_wait3A_196] : memref<5120x125xi32, #tpu.memory_space<hbm>> -> memref<16x125xi32, #tpu.memory_space<hbm>>
            tpu.wait_dma2 semaphore(%arg18 : memref<!tpu.dma_semaphore, #tpu.memory_space<semaphore_mem>>) src(%dma_wait3A_197 : memref<16x125xi32, #tpu.memory_space<hbm>>) dst(%dma_wait3A_195 : memref<16x125xi32, #tpu.memory_space<vmem>>)
          } else {
          }
          %add3A_170 = arith.constant 16 : i32
          %add3A_171 = arith.addi %add3A_148, %add3A_170 : i32
          %lt3A_172 = arith.constant 80 : i32
          %lt3A_173 = arith.cmpi slt, %add3A_171, %lt3A_172 : i32
          %convert_element_type3A_174 = arith.extui %lt3A_173 : i1 to i32
          %cond3A_175 = arith.constant 0 : i32
          %cond3A_176 = arith.cmpi ne, %convert_element_type3A_174, %cond3A_175 : i32
          scf.if %cond3A_176 {
            %add3A_177 = arith.constant 16 : i32
            %add3A_178 = arith.addi %add3A_148, %add3A_177 : i32
            %add3A_179 = arith.addi %add3A_13, %add3A_178 : i32
            %multiple_of3A_180 = tpu.assume_multiple %add3A_179, 8 : i32
            %rem3A_181 = arith.constant 64 : i32
            %rem3A_182 = arith.remsi %add3A_178, %rem3A_181 : i32
            %multiple_of3A_183 = tpu.assume_multiple %rem3A_182, 8 : i32
            %dma_start3A_184 = arith.constant 0 : i32
            %dma_start3A_185 = tpu.memref_slice %arg12[%multiple_of3A_183, %dma_start3A_184] : memref<64x125xi32, #tpu.memory_space<vmem>> -> memref<16x125xi32, #tpu.memory_space<vmem>>
            %dma_start3A_186 = arith.constant 0 : i32
            %dma_start3A_187 = tpu.memref_slice %arg5[%multiple_of3A_180, %dma_start3A_186] : memref<5120x125xi32, #tpu.memory_space<hbm>> -> memref<16x125xi32, #tpu.memory_space<hbm>>
            %dma_start3A_188 = arith.constant 0 : i32
            %dma_start3A_189 = tpu.memref_slice %arg12[%multiple_of3A_183, %dma_start3A_188] : memref<64x125xi32, #tpu.memory_space<vmem>> -> memref<16x125xi32, #tpu.memory_space<vmem>>
            %dma_start3A_190 = arith.constant 0 : i32
            %dma_start3A_191 = tpu.memref_slice %arg5[%multiple_of3A_180, %dma_start3A_190] : memref<5120x125xi32, #tpu.memory_space<hbm>> -> memref<16x125xi32, #tpu.memory_space<hbm>>
            tpu.enqueue_dma source(%dma_start3A_191 : memref<16x125xi32, #tpu.memory_space<hbm>>) target(%dma_start3A_189 : memref<16x125xi32, #tpu.memory_space<vmem>>) target_semaphore(%arg18 : memref<!tpu.dma_semaphore, #tpu.memory_space<semaphore_mem>>)
            %dma_start3A_192 = arith.constant 0 : i32
            %dma_start3A_193 = tpu.memref_slice %arg13[%multiple_of3A_183, %dma_start3A_192] : memref<64x125xi32, #tpu.memory_space<vmem>> -> memref<16x125xi32, #tpu.memory_space<vmem>>
            %dma_start3A_194 = arith.constant 0 : i32
            %dma_start3A_195 = tpu.memref_slice %arg6[%multiple_of3A_180, %dma_start3A_194] : memref<5120x125xi32, #tpu.memory_space<hbm>> -> memref<16x125xi32, #tpu.memory_space<hbm>>
            %dma_start3A_196 = arith.constant 0 : i32
            %dma_start3A_197 = tpu.memref_slice %arg13[%multiple_of3A_183, %dma_start3A_196] : memref<64x125xi32, #tpu.memory_space<vmem>> -> memref<16x125xi32, #tpu.memory_space<vmem>>
            %dma_start3A_198 = arith.constant 0 : i32
            %dma_start3A_199 = tpu.memref_slice %arg6[%multiple_of3A_180, %dma_start3A_198] : memref<5120x125xi32, #tpu.memory_space<hbm>> -> memref<16x125xi32, #tpu.memory_space<hbm>>
            tpu.enqueue_dma source(%dma_start3A_199 : memref<16x125xi32, #tpu.memory_space<hbm>>) target(%dma_start3A_197 : memref<16x125xi32, #tpu.memory_space<vmem>>) target_semaphore(%arg18 : memref<!tpu.dma_semaphore, #tpu.memory_space<semaphore_mem>>)
          } else {
          }
        } else {
        }
        %lt3A_161 = arith.constant 80 : i32
        %lt3A_162 = arith.cmpi slt, %add3A_148, %lt3A_161 : i32
        %convert_element_type3A_163 = arith.extui %lt3A_162 : i1 to i32
        %cond3A_164 = arith.constant 0 : i32
        %cond3A_165 = arith.cmpi ne, %convert_element_type3A_163, %cond3A_164 : i32
        scf.if %cond3A_165 {
          %dma_start3A_166 = arith.constant 0 : i32
          %dma_start3A_167 = tpu.memref_slice %arg12[%rem3A_150, %dma_start3A_166] : memref<64x125xi32, #tpu.memory_space<vmem>> -> memref<1x125xi32, #tpu.memory_space<vmem>>
          %dma_start3A_168 = tpu.memref_squeeze %dma_start3A_167 : memref<1x125xi32, #tpu.memory_space<vmem>> -> memref<125xi32, #tpu.memory_space<vmem>>
          %dma_start3A_169 = arith.constant 0 : i32
          %dma_start3A_170 = arith.constant 0 : i32
          %dma_start3A_171 = tpu.memref_slice %arg2[%dma_start3A_169, %dma_start3A_170] : memref<10000x128xf32, #tpu.memory_space<hbm>> -> memref<10000x128xf32, #tpu.memory_space<hbm>>
          tpu.enqueue_indirect_dma source(%dma_start3A_171 : memref<10000x128xf32, #tpu.memory_space<hbm>>) target(%arg15 : memref<125x128xf32, #tpu.memory_space<vmem>>) offsets(%dma_start3A_168 : memref<125xi32, #tpu.memory_space<vmem>>) semaphore(%arg17 : memref<!tpu.dma_semaphore, #tpu.memory_space<semaphore_mem>>)
        } else {
        }
      }
      %scan3A_44 = arith.constant 40 : i32
      %barrier3A_45 = arith.constant 0 : index
      tpu.barrier barrier_id(%barrier3A_45)
      %mul3A_46 = arith.constant 640 : i32
      %mul3A_47 = arith.muli %arg1, %mul3A_46 : i32
      %mul3A_48 = arith.constant 640 : i32
      %mul3A_49 = arith.muli %arg1, %mul3A_48 : i32
      "tpu.region"() ({
        %run_scoped3A = tpu.sem_alloc : memref<!tpu.dma_semaphore, #tpu.memory_space<semaphore_mem>>
        %dma_start3A_105 = arith.constant 0 : i32
        %dma_start3A_106 = tpu.memref_slice %arg9[%mul3A_49, %dma_start3A_105] : memref<10240x128xf32, #tpu.memory_space<hbm>> -> memref<640x128xf32, #tpu.memory_space<hbm>>
        %dma_start3A_107 = arith.constant 0 : i32
        %dma_start3A_108 = tpu.memref_slice %arg11[%mul3A_47, %dma_start3A_107] : memref<10240x128xf32, #tpu.memory_space<vmem_shared>> -> memref<640x128xf32, #tpu.memory_space<vmem_shared>>
        tpu.enqueue_dma source(%dma_start3A_108 : memref<640x128xf32, #tpu.memory_space<vmem_shared>>) target(%dma_start3A_106 : memref<640x128xf32, #tpu.memory_space<hbm>>) target_semaphore(%run_scoped3A : memref<!tpu.dma_semaphore, #tpu.memory_space<semaphore_mem>>)
        %dma_wait3A = arith.constant 0 : i32
        %dma_wait3A_109 = tpu.memref_slice %arg9[%mul3A_49, %dma_wait3A] : memref<10240x128xf32, #tpu.memory_space<hbm>> -> memref<640x128xf32, #tpu.memory_space<hbm>>
        %dma_wait3A_110 = arith.constant 0 : i32
        %dma_wait3A_111 = tpu.memref_slice %arg11[%mul3A_47, %dma_wait3A_110] : memref<10240x128xf32, #tpu.memory_space<vmem_shared>> -> memref<640x128xf32, #tpu.memory_space<vmem_shared>>
        tpu.wait_dma2 semaphore(%run_scoped3A : memref<!tpu.dma_semaphore, #tpu.memory_space<semaphore_mem>>) src(%dma_wait3A_111 : memref<640x128xf32, #tpu.memory_space<vmem_shared>>) dst(%dma_wait3A_109 : memref<640x128xf32, #tpu.memory_space<hbm>>)
        tpu.yield
      }) : () -> ()
      %scan3A_50 = arith.constant 0 : i32
      %scan3A_51 = arith.constant 0 : i32
      %scan3A_52 = arith.constant 5 : i32
      %scan3A_53 = arith.addi %scan3A_51, %scan3A_52 : i32
      %scan3A_54 = arith.constant 1 : i32
      scf.for %scan3A_105 = %scan3A_51 to %scan3A_53 step %scan3A_54  : i32 {
        %mul3A_106 = arith.constant 640 : i32
        %mul3A_107 = arith.muli %arg1, %mul3A_106 : i32
        %mul3A_108 = arith.constant 128 : i32
        %mul3A_109 = arith.muli %scan3A_105, %mul3A_108 : i32
        %add3A_110 = arith.addi %mul3A_107, %mul3A_109 : i32
        "tpu.region"() ({
          %run_scoped3A = tpu.sem_alloc : memref<!tpu.dma_semaphore, #tpu.memory_space<semaphore_mem>>
          %dma_start3A_111 = arith.constant 0 : i32
          %dma_start3A_112 = tpu.memref_slice %arg11[%add3A_110, %dma_start3A_111] : memref<10240x128xf32, #tpu.memory_space<vmem_shared>> -> memref<128x128xf32, #tpu.memory_space<vmem_shared>>
          tpu.enqueue_dma source(%arg7 : memref<128x128xf32, #tpu.memory_space<hbm>>) target(%dma_start3A_112 : memref<128x128xf32, #tpu.memory_space<vmem_shared>>) target_semaphore(%run_scoped3A : memref<!tpu.dma_semaphore, #tpu.memory_space<semaphore_mem>>)
          %dma_wait3A = arith.constant 0 : i32
          %dma_wait3A_113 = tpu.memref_slice %arg11[%add3A_110, %dma_wait3A] : memref<10240x128xf32, #tpu.memory_space<vmem_shared>> -> memref<128x128xf32, #tpu.memory_space<vmem_shared>>
          tpu.wait_dma2 semaphore(%run_scoped3A : memref<!tpu.dma_semaphore, #tpu.memory_space<semaphore_mem>>) src(%arg7 : memref<128x128xf32, #tpu.memory_space<hbm>>) dst(%dma_wait3A_113 : memref<128x128xf32, #tpu.memory_space<vmem_shared>>)
          tpu.yield
        }) : () -> ()
      }
      %scan3A_55 = arith.constant 5 : i32
      %barrier3A_56 = arith.constant 0 : index
      tpu.barrier barrier_id(%barrier3A_56)
      %mul3A_57 = arith.constant 160 : i32
      %mul3A_58 = arith.muli %arg1, %mul3A_57 : i32
      %add3A_59 = arith.constant 0 : i32
      %add3A_60 = arith.addi %add3A_59, %mul3A_58 : i32
      %add3A_61 = arith.constant 0 : i32
      %add3A_62 = arith.addi %add3A_60, %add3A_61 : i32
      %multiple_of3A_63 = tpu.assume_multiple %add3A_62, 8 : i32
      %rem3A_64 = arith.constant 0 : i32
      %rem3A_65 = arith.constant 64 : i32
      %rem3A_66 = arith.remsi %rem3A_64, %rem3A_65 : i32
      %multiple_of3A_67 = tpu.assume_multiple %rem3A_66, 8 : i32
      "tpu.region"() ({
        %run_scoped3A = tpu.sem_alloc : memref<!tpu.dma_semaphore, #tpu.memory_space<semaphore_mem>>
        %dma_start3A_105 = arith.constant 0 : i32
        %dma_start3A_106 = tpu.memref_slice %arg12[%multiple_of3A_67, %dma_start3A_105] : memref<64x125xi32, #tpu.memory_space<vmem>> -> memref<16x125xi32, #tpu.memory_space<vmem>>
        %dma_start3A_107 = arith.constant 0 : i32
        %dma_start3A_108 = tpu.memref_slice %arg3[%multiple_of3A_63, %dma_start3A_107] : memref<2560x125xi32, #tpu.memory_space<hbm>> -> memref<16x125xi32, #tpu.memory_space<hbm>>
        %dma_start3A_109 = arith.constant 0 : i32
        %dma_start3A_110 = tpu.memref_slice %arg12[%multiple_of3A_67, %dma_start3A_109] : memref<64x125xi32, #tpu.memory_space<vmem>> -> memref<16x125xi32, #tpu.memory_space<vmem>>
        %dma_start3A_111 = arith.constant 0 : i32
        %dma_start3A_112 = tpu.memref_slice %arg3[%multiple_of3A_63, %dma_start3A_111] : memref<2560x125xi32, #tpu.memory_space<hbm>> -> memref<16x125xi32, #tpu.memory_space<hbm>>
        tpu.enqueue_dma source(%dma_start3A_112 : memref<16x125xi32, #tpu.memory_space<hbm>>) target(%dma_start3A_110 : memref<16x125xi32, #tpu.memory_space<vmem>>) target_semaphore(%run_scoped3A : memref<!tpu.dma_semaphore, #tpu.memory_space<semaphore_mem>>)
        %dma_wait3A = arith.constant 0 : i32
        %dma_wait3A_113 = tpu.memref_slice %arg12[%multiple_of3A_67, %dma_wait3A] : memref<64x125xi32, #tpu.memory_space<vmem>> -> memref<16x125xi32, #tpu.memory_space<vmem>>
        %dma_wait3A_114 = arith.constant 0 : i32
        %dma_wait3A_115 = tpu.memref_slice %arg3[%multiple_of3A_63, %dma_wait3A_114] : memref<2560x125xi32, #tpu.memory_space<hbm>> -> memref<16x125xi32, #tpu.memory_space<hbm>>
        %dma_wait3A_116 = arith.constant 0 : i32
        %dma_wait3A_117 = tpu.memref_slice %arg12[%multiple_of3A_67, %dma_wait3A_116] : memref<64x125xi32, #tpu.memory_space<vmem>> -> memref<16x125xi32, #tpu.memory_space<vmem>>
        %dma_wait3A_118 = arith.constant 0 : i32
        %dma_wait3A_119 = tpu.memref_slice %arg3[%multiple_of3A_63, %dma_wait3A_118] : memref<2560x125xi32, #tpu.memory_space<hbm>> -> memref<16x125xi32, #tpu.memory_space<hbm>>
        tpu.wait_dma2 semaphore(%run_scoped3A : memref<!tpu.dma_semaphore, #tpu.memory_space<semaphore_mem>>) src(%dma_wait3A_119 : memref<16x125xi32, #tpu.memory_space<hbm>>) dst(%dma_wait3A_117 : memref<16x125xi32, #tpu.memory_space<vmem>>)
        tpu.yield
      }) : () -> ()
      "tpu.region"() ({
        %run_scoped3A = tpu.sem_alloc : memref<!tpu.dma_semaphore, #tpu.memory_space<semaphore_mem>>
        %dma_start3A_105 = arith.constant 0 : i32
        %dma_start3A_106 = tpu.memref_slice %arg13[%multiple_of3A_67, %dma_start3A_105] : memref<64x125xi32, #tpu.memory_space<vmem>> -> memref<16x125xi32, #tpu.memory_space<vmem>>
        %dma_start3A_107 = arith.constant 0 : i32
        %dma_start3A_108 = tpu.memref_slice %arg4[%multiple_of3A_63, %dma_start3A_107] : memref<2560x125xi32, #tpu.memory_space<hbm>> -> memref<16x125xi32, #tpu.memory_space<hbm>>
        %dma_start3A_109 = arith.constant 0 : i32
        %dma_start3A_110 = tpu.memref_slice %arg13[%multiple_of3A_67, %dma_start3A_109] : memref<64x125xi32, #tpu.memory_space<vmem>> -> memref<16x125xi32, #tpu.memory_space<vmem>>
        %dma_start3A_111 = arith.constant 0 : i32
        %dma_start3A_112 = tpu.memref_slice %arg4[%multiple_of3A_63, %dma_start3A_111] : memref<2560x125xi32, #tpu.memory_space<hbm>> -> memref<16x125xi32, #tpu.memory_space<hbm>>
        tpu.enqueue_dma source(%dma_start3A_112 : memref<16x125xi32, #tpu.memory_space<hbm>>) target(%dma_start3A_110 : memref<16x125xi32, #tpu.memory_space<vmem>>) target_semaphore(%run_scoped3A : memref<!tpu.dma_semaphore, #tpu.memory_space<semaphore_mem>>)
        %dma_wait3A = arith.constant 0 : i32
        %dma_wait3A_113 = tpu.memref_slice %arg13[%multiple_of3A_67, %dma_wait3A] : memref<64x125xi32, #tpu.memory_space<vmem>> -> memref<16x125xi32, #tpu.memory_space<vmem>>
        %dma_wait3A_114 = arith.constant 0 : i32
        %dma_wait3A_115 = tpu.memref_slice %arg4[%multiple_of3A_63, %dma_wait3A_114] : memref<2560x125xi32, #tpu.memory_space<hbm>> -> memref<16x125xi32, #tpu.memory_space<hbm>>
        %dma_wait3A_116 = arith.constant 0 : i32
        %dma_wait3A_117 = tpu.memref_slice %arg13[%multiple_of3A_67, %dma_wait3A_116] : memref<64x125xi32, #tpu.memory_space<vmem>> -> memref<16x125xi32, #tpu.memory_space<vmem>>
        %dma_wait3A_118 = arith.constant 0 : i32
        %dma_wait3A_119 = tpu.memref_slice %arg4[%multiple_of3A_63, %dma_wait3A_118] : memref<2560x125xi32, #tpu.memory_space<hbm>> -> memref<16x125xi32, #tpu.memory_space<hbm>>
        tpu.wait_dma2 semaphore(%run_scoped3A : memref<!tpu.dma_semaphore, #tpu.memory_space<semaphore_mem>>) src(%dma_wait3A_119 : memref<16x125xi32, #tpu.memory_space<hbm>>) dst(%dma_wait3A_117 : memref<16x125xi32, #tpu.memory_space<vmem>>)
        tpu.yield
      }) : () -> ()
      %add3A_68 = arith.constant 16 : i32
      %add3A_69 = arith.addi %add3A_60, %add3A_68 : i32
      %multiple_of3A_70 = tpu.assume_multiple %add3A_69, 8 : i32
      %rem3A_71 = arith.constant 16 : i32
      %rem3A_72 = arith.constant 64 : i32
      %rem3A_73 = arith.remsi %rem3A_71, %rem3A_72 : i32
      %multiple_of3A_74 = tpu.assume_multiple %rem3A_73, 8 : i32
      "tpu.region"() ({
        %run_scoped3A = tpu.sem_alloc : memref<!tpu.dma_semaphore, #tpu.memory_space<semaphore_mem>>
        %dma_start3A_105 = arith.constant 0 : i32
        %dma_start3A_106 = tpu.memref_slice %arg12[%multiple_of3A_74, %dma_start3A_105] : memref<64x125xi32, #tpu.memory_space<vmem>> -> memref<16x125xi32, #tpu.memory_space<vmem>>
        %dma_start3A_107 = arith.constant 0 : i32
        %dma_start3A_108 = tpu.memref_slice %arg3[%multiple_of3A_70, %dma_start3A_107] : memref<2560x125xi32, #tpu.memory_space<hbm>> -> memref<16x125xi32, #tpu.memory_space<hbm>>
        %dma_start3A_109 = arith.constant 0 : i32
        %dma_start3A_110 = tpu.memref_slice %arg12[%multiple_of3A_74, %dma_start3A_109] : memref<64x125xi32, #tpu.memory_space<vmem>> -> memref<16x125xi32, #tpu.memory_space<vmem>>
        %dma_start3A_111 = arith.constant 0 : i32
        %dma_start3A_112 = tpu.memref_slice %arg3[%multiple_of3A_70, %dma_start3A_111] : memref<2560x125xi32, #tpu.memory_space<hbm>> -> memref<16x125xi32, #tpu.memory_space<hbm>>
        tpu.enqueue_dma source(%dma_start3A_112 : memref<16x125xi32, #tpu.memory_space<hbm>>) target(%dma_start3A_110 : memref<16x125xi32, #tpu.memory_space<vmem>>) target_semaphore(%run_scoped3A : memref<!tpu.dma_semaphore, #tpu.memory_space<semaphore_mem>>)
        %dma_wait3A = arith.constant 0 : i32
        %dma_wait3A_113 = tpu.memref_slice %arg12[%multiple_of3A_74, %dma_wait3A] : memref<64x125xi32, #tpu.memory_space<vmem>> -> memref<16x125xi32, #tpu.memory_space<vmem>>
        %dma_wait3A_114 = arith.constant 0 : i32
        %dma_wait3A_115 = tpu.memref_slice %arg3[%multiple_of3A_70, %dma_wait3A_114] : memref<2560x125xi32, #tpu.memory_space<hbm>> -> memref<16x125xi32, #tpu.memory_space<hbm>>
        %dma_wait3A_116 = arith.constant 0 : i32
        %dma_wait3A_117 = tpu.memref_slice %arg12[%multiple_of3A_74, %dma_wait3A_116] : memref<64x125xi32, #tpu.memory_space<vmem>> -> memref<16x125xi32, #tpu.memory_space<vmem>>
        %dma_wait3A_118 = arith.constant 0 : i32
        %dma_wait3A_119 = tpu.memref_slice %arg3[%multiple_of3A_70, %dma_wait3A_118] : memref<2560x125xi32, #tpu.memory_space<hbm>> -> memref<16x125xi32, #tpu.memory_space<hbm>>
        tpu.wait_dma2 semaphore(%run_scoped3A : memref<!tpu.dma_semaphore, #tpu.memory_space<semaphore_mem>>) src(%dma_wait3A_119 : memref<16x125xi32, #tpu.memory_space<hbm>>) dst(%dma_wait3A_117 : memref<16x125xi32, #tpu.memory_space<vmem>>)
        tpu.yield
      }) : () -> ()
      "tpu.region"() ({
        %run_scoped3A = tpu.sem_alloc : memref<!tpu.dma_semaphore, #tpu.memory_space<semaphore_mem>>
        %dma_start3A_105 = arith.constant 0 : i32
        %dma_start3A_106 = tpu.memref_slice %arg13[%multiple_of3A_74, %dma_start3A_105] : memref<64x125xi32, #tpu.memory_space<vmem>> -> memref<16x125xi32, #tpu.memory_space<vmem>>
        %dma_start3A_107 = arith.constant 0 : i32
        %dma_start3A_108 = tpu.memref_slice %arg4[%multiple_of3A_70, %dma_start3A_107] : memref<2560x125xi32, #tpu.memory_space<hbm>> -> memref<16x125xi32, #tpu.memory_space<hbm>>
        %dma_start3A_109 = arith.constant 0 : i32
        %dma_start3A_110 = tpu.memref_slice %arg13[%multiple_of3A_74, %dma_start3A_109] : memref<64x125xi32, #tpu.memory_space<vmem>> -> memref<16x125xi32, #tpu.memory_space<vmem>>
        %dma_start3A_111 = arith.constant 0 : i32
        %dma_start3A_112 = tpu.memref_slice %arg4[%multiple_of3A_70, %dma_start3A_111] : memref<2560x125xi32, #tpu.memory_space<hbm>> -> memref<16x125xi32, #tpu.memory_space<hbm>>
        tpu.enqueue_dma source(%dma_start3A_112 : memref<16x125xi32, #tpu.memory_space<hbm>>) target(%dma_start3A_110 : memref<16x125xi32, #tpu.memory_space<vmem>>) target_semaphore(%run_scoped3A : memref<!tpu.dma_semaphore, #tpu.memory_space<semaphore_mem>>)
        %dma_wait3A = arith.constant 0 : i32
        %dma_wait3A_113 = tpu.memref_slice %arg13[%multiple_of3A_74, %dma_wait3A] : memref<64x125xi32, #tpu.memory_space<vmem>> -> memref<16x125xi32, #tpu.memory_space<vmem>>
        %dma_wait3A_114 = arith.constant 0 : i32
        %dma_wait3A_115 = tpu.memref_slice %arg4[%multiple_of3A_70, %dma_wait3A_114] : memref<2560x125xi32, #tpu.memory_space<hbm>> -> memref<16x125xi32, #tpu.memory_space<hbm>>
        %dma_wait3A_116 = arith.constant 0 : i32
        %dma_wait3A_117 = tpu.memref_slice %arg13[%multiple_of3A_74, %dma_wait3A_116] : memref<64x125xi32, #tpu.memory_space<vmem>> -> memref<16x125xi32, #tpu.memory_space<vmem>>
        %dma_wait3A_118 = arith.constant 0 : i32
        %dma_wait3A_119 = tpu.memref_slice %arg4[%multiple_of3A_70, %dma_wait3A_118] : memref<2560x125xi32, #tpu.memory_space<hbm>> -> memref<16x125xi32, #tpu.memory_space<hbm>>
        tpu.wait_dma2 semaphore(%run_scoped3A : memref<!tpu.dma_semaphore, #tpu.memory_space<semaphore_mem>>) src(%dma_wait3A_119 : memref<16x125xi32, #tpu.memory_space<hbm>>) dst(%dma_wait3A_117 : memref<16x125xi32, #tpu.memory_space<vmem>>)
        tpu.yield
      }) : () -> ()
      %dma_start3A_75 = arith.constant 0 : i32
      %dma_start3A_76 = arith.constant 0 : i32
      %dma_start3A_77 = tpu.memref_slice %arg12[%dma_start3A_75, %dma_start3A_76] : memref<64x125xi32, #tpu.memory_space<vmem>> -> memref<1x125xi32, #tpu.memory_space<vmem>>
      %dma_start3A_78 = tpu.memref_squeeze %dma_start3A_77 : memref<1x125xi32, #tpu.memory_space<vmem>> -> memref<125xi32, #tpu.memory_space<vmem>>
      %dma_start3A_79 = arith.constant 0 : i32
      %dma_start3A_80 = arith.constant 0 : i32
      %dma_start3A_81 = tpu.memref_slice %arg2[%dma_start3A_79, %dma_start3A_80] : memref<10000x128xf32, #tpu.memory_space<hbm>> -> memref<10000x128xf32, #tpu.memory_space<hbm>>
      tpu.enqueue_indirect_dma source(%dma_start3A_81 : memref<10000x128xf32, #tpu.memory_space<hbm>>) target(%arg14 : memref<125x128xf32, #tpu.memory_space<vmem>>) offsets(%dma_start3A_78 : memref<125xi32, #tpu.memory_space<vmem>>) semaphore(%arg16 : memref<!tpu.dma_semaphore, #tpu.memory_space<semaphore_mem>>)
      %dma_start3A_82 = arith.constant 1 : i32
      %dma_start3A_83 = arith.constant 0 : i32
      %dma_start3A_84 = tpu.memref_slice %arg12[%dma_start3A_82, %dma_start3A_83] : memref<64x125xi32, #tpu.memory_space<vmem>> -> memref<1x125xi32, #tpu.memory_space<vmem>>
      %dma_start3A_85 = tpu.memref_squeeze %dma_start3A_84 : memref<1x125xi32, #tpu.memory_space<vmem>> -> memref<125xi32, #tpu.memory_space<vmem>>
      %dma_start3A_86 = arith.constant 0 : i32
      %dma_start3A_87 = arith.constant 0 : i32
      %dma_start3A_88 = tpu.memref_slice %arg2[%dma_start3A_86, %dma_start3A_87] : memref<10000x128xf32, #tpu.memory_space<hbm>> -> memref<10000x128xf32, #tpu.memory_space<hbm>>
      tpu.enqueue_indirect_dma source(%dma_start3A_88 : memref<10000x128xf32, #tpu.memory_space<hbm>>) target(%arg15 : memref<125x128xf32, #tpu.memory_space<vmem>>) offsets(%dma_start3A_85 : memref<125xi32, #tpu.memory_space<vmem>>) semaphore(%arg17 : memref<!tpu.dma_semaphore, #tpu.memory_space<semaphore_mem>>)
      %scan3A_89 = arith.constant 0 : i32
      %scan3A_90 = arith.constant 0 : i32
      %scan3A_91 = arith.constant 80 : i32
      %scan3A_92 = arith.addi %scan3A_90, %scan3A_91 : i32
      %scan3A_93 = arith.constant 1 : i32
      scf.for %scan3A_105 = %scan3A_90 to %scan3A_92 step %scan3A_93  : i32 {
        %mul3A_106 = arith.constant 2 : i32
        %mul3A_107 = arith.muli %scan3A_105, %mul3A_106 : i32
        %add3A_108 = arith.constant 0 : i32
        %add3A_109 = arith.addi %mul3A_107, %add3A_108 : i32
        %rem3A_110 = arith.constant 64 : i32
        %rem3A_111 = arith.remsi %add3A_109, %rem3A_110 : i32
        %dma_wait3A = arith.constant 0 : i32
        %dma_wait3A_112 = tpu.memref_slice %arg12[%rem3A_111, %dma_wait3A] : memref<64x125xi32, #tpu.memory_space<vmem>> -> memref<1x125xi32, #tpu.memory_space<vmem>>
        %dma_wait3A_113 = tpu.memref_squeeze %dma_wait3A_112 : memref<1x125xi32, #tpu.memory_space<vmem>> -> memref<125xi32, #tpu.memory_space<vmem>>
        %dma_wait3A_114 = arith.constant 0 : i32
        %dma_wait3A_115 = arith.constant 0 : i32
        %dma_wait3A_116 = tpu.memref_slice %arg2[%dma_wait3A_114, %dma_wait3A_115] : memref<10000x128xf32, #tpu.memory_space<hbm>> -> memref<10000x128xf32, #tpu.memory_space<hbm>>
        tpu.wait_indirect_dma semaphore(%arg16 : memref<!tpu.dma_semaphore, #tpu.memory_space<semaphore_mem>>) src(%dma_wait3A_116 : memref<10000x128xf32, #tpu.memory_space<hbm>>) dst(%arg14 : memref<125x128xf32, #tpu.memory_space<vmem>>)
        "tpu.region"() ({
          %run_scoped3A = tpu.sem_alloc : memref<!tpu.dma_semaphore, #tpu.memory_space<semaphore_mem>>
          %dma_start3A_166 = arith.constant 0 : i32
          %dma_start3A_167 = tpu.memref_slice %arg13[%rem3A_111, %dma_start3A_166] : memref<64x125xi32, #tpu.memory_space<vmem>> -> memref<1x125xi32, #tpu.memory_space<vmem>>
          %dma_start3A_168 = tpu.memref_squeeze %dma_start3A_167 : memref<1x125xi32, #tpu.memory_space<vmem>> -> memref<125xi32, #tpu.memory_space<vmem>>
          %dma_start3A_169 = arith.constant 0 : i32
          %dma_start3A_170 = arith.constant 0 : i32
          %dma_start3A_171 = tpu.memref_slice %arg11[%dma_start3A_169, %dma_start3A_170] : memref<10240x128xf32, #tpu.memory_space<vmem_shared>> -> memref<10240x128xf32, #tpu.memory_space<vmem_shared>>
          tpu.enqueue_indirect_dma source(%arg14 : memref<125x128xf32, #tpu.memory_space<vmem>>) target(%dma_start3A_171 : memref<10240x128xf32, #tpu.memory_space<vmem_shared>>) offsets(%dma_start3A_168 : memref<125xi32, #tpu.memory_space<vmem>>) semaphore(%run_scoped3A : memref<!tpu.dma_semaphore, #tpu.memory_space<semaphore_mem>>) {add = true}
          %dma_wait3A_172 = arith.constant 0 : i32
          %dma_wait3A_173 = tpu.memref_slice %arg13[%rem3A_111, %dma_wait3A_172] : memref<64x125xi32, #tpu.memory_space<vmem>> -> memref<1x125xi32, #tpu.memory_space<vmem>>
          %dma_wait3A_174 = tpu.memref_squeeze %dma_wait3A_173 : memref<1x125xi32, #tpu.memory_space<vmem>> -> memref<125xi32, #tpu.memory_space<vmem>>
          %dma_wait3A_175 = arith.constant 0 : i32
          %dma_wait3A_176 = arith.constant 0 : i32
          %dma_wait3A_177 = tpu.memref_slice %arg11[%dma_wait3A_175, %dma_wait3A_176] : memref<10240x128xf32, #tpu.memory_space<vmem_shared>> -> memref<10240x128xf32, #tpu.memory_space<vmem_shared>>
          tpu.wait_indirect_dma semaphore(%run_scoped3A : memref<!tpu.dma_semaphore, #tpu.memory_space<semaphore_mem>>) src(%arg14 : memref<125x128xf32, #tpu.memory_space<vmem>>) dst(%dma_wait3A_177 : memref<10240x128xf32, #tpu.memory_space<vmem_shared>>)
          tpu.yield
        }) : () -> ()
        %add3A_117 = arith.constant 2 : i32
        %add3A_118 = arith.addi %add3A_109, %add3A_117 : i32
        %rem3A_119 = arith.constant 64 : i32
        %rem3A_120 = arith.remsi %add3A_118, %rem3A_119 : i32
        %rem3A_121 = arith.constant 16 : i32
        %rem3A_122 = arith.remsi %add3A_118, %rem3A_121 : i32
        %eq3A_123 = arith.constant 0 : i32
        %eq3A_124 = arith.cmpi eq, %rem3A_122, %eq3A_123 : i32
        %lt3A_125 = arith.constant 160 : i32
        %lt3A_126 = arith.cmpi slt, %add3A_118, %lt3A_125 : i32
        %and3A = arith.andi %eq3A_124, %lt3A_126 : i1
        %convert_element_type3A_127 = arith.extui %and3A : i1 to i32
        %cond3A_128 = arith.constant 0 : i32
        %cond3A_129 = arith.cmpi ne, %convert_element_type3A_127, %cond3A_128 : i32
        scf.if %cond3A_129 {
          %ge3A = arith.constant 32 : i32
          %ge3A_166 = arith.cmpi sge, %add3A_118, %ge3A : i32
          %convert_element_type3A_167 = arith.extui %ge3A_166 : i1 to i32
          %cond3A_168 = arith.constant 0 : i32
          %cond3A_169 = arith.cmpi ne, %convert_element_type3A_167, %cond3A_168 : i32
          scf.if %cond3A_169 {
            %add3A_177 = arith.addi %add3A_60, %add3A_118 : i32
            %multiple_of3A_178 = tpu.assume_multiple %add3A_177, 8 : i32
            %rem3A_179 = arith.constant 64 : i32
            %rem3A_180 = arith.remsi %add3A_118, %rem3A_179 : i32
            %multiple_of3A_181 = tpu.assume_multiple %rem3A_180, 8 : i32
            %dma_wait3A_182 = arith.constant 0 : i32
            %dma_wait3A_183 = tpu.memref_slice %arg12[%multiple_of3A_181, %dma_wait3A_182] : memref<64x125xi32, #tpu.memory_space<vmem>> -> memref<16x125xi32, #tpu.memory_space<vmem>>
            %dma_wait3A_184 = arith.constant 0 : i32
            %dma_wait3A_185 = tpu.memref_slice %arg3[%multiple_of3A_178, %dma_wait3A_184] : memref<2560x125xi32, #tpu.memory_space<hbm>> -> memref<16x125xi32, #tpu.memory_space<hbm>>
            %dma_wait3A_186 = arith.constant 0 : i32
            %dma_wait3A_187 = tpu.memref_slice %arg12[%multiple_of3A_181, %dma_wait3A_186] : memref<64x125xi32, #tpu.memory_space<vmem>> -> memref<16x125xi32, #tpu.memory_space<vmem>>
            %dma_wait3A_188 = arith.constant 0 : i32
            %dma_wait3A_189 = tpu.memref_slice %arg3[%multiple_of3A_178, %dma_wait3A_188] : memref<2560x125xi32, #tpu.memory_space<hbm>> -> memref<16x125xi32, #tpu.memory_space<hbm>>
            tpu.wait_dma2 semaphore(%arg18 : memref<!tpu.dma_semaphore, #tpu.memory_space<semaphore_mem>>) src(%dma_wait3A_189 : memref<16x125xi32, #tpu.memory_space<hbm>>) dst(%dma_wait3A_187 : memref<16x125xi32, #tpu.memory_space<vmem>>)
            %dma_wait3A_190 = arith.constant 0 : i32
            %dma_wait3A_191 = tpu.memref_slice %arg13[%multiple_of3A_181, %dma_wait3A_190] : memref<64x125xi32, #tpu.memory_space<vmem>> -> memref<16x125xi32, #tpu.memory_space<vmem>>
            %dma_wait3A_192 = arith.constant 0 : i32
            %dma_wait3A_193 = tpu.memref_slice %arg4[%multiple_of3A_178, %dma_wait3A_192] : memref<2560x125xi32, #tpu.memory_space<hbm>> -> memref<16x125xi32, #tpu.memory_space<hbm>>
            %dma_wait3A_194 = arith.constant 0 : i32
            %dma_wait3A_195 = tpu.memref_slice %arg13[%multiple_of3A_181, %dma_wait3A_194] : memref<64x125xi32, #tpu.memory_space<vmem>> -> memref<16x125xi32, #tpu.memory_space<vmem>>
            %dma_wait3A_196 = arith.constant 0 : i32
            %dma_wait3A_197 = tpu.memref_slice %arg4[%multiple_of3A_178, %dma_wait3A_196] : memref<2560x125xi32, #tpu.memory_space<hbm>> -> memref<16x125xi32, #tpu.memory_space<hbm>>
            tpu.wait_dma2 semaphore(%arg18 : memref<!tpu.dma_semaphore, #tpu.memory_space<semaphore_mem>>) src(%dma_wait3A_197 : memref<16x125xi32, #tpu.memory_space<hbm>>) dst(%dma_wait3A_195 : memref<16x125xi32, #tpu.memory_space<vmem>>)
          } else {
          }
          %add3A_170 = arith.constant 16 : i32
          %add3A_171 = arith.addi %add3A_118, %add3A_170 : i32
          %lt3A_172 = arith.constant 160 : i32
          %lt3A_173 = arith.cmpi slt, %add3A_171, %lt3A_172 : i32
          %convert_element_type3A_174 = arith.extui %lt3A_173 : i1 to i32
          %cond3A_175 = arith.constant 0 : i32
          %cond3A_176 = arith.cmpi ne, %convert_element_type3A_174, %cond3A_175 : i32
          scf.if %cond3A_176 {
            %add3A_177 = arith.constant 16 : i32
            %add3A_178 = arith.addi %add3A_118, %add3A_177 : i32
            %add3A_179 = arith.addi %add3A_60, %add3A_178 : i32
            %multiple_of3A_180 = tpu.assume_multiple %add3A_179, 8 : i32
            %rem3A_181 = arith.constant 64 : i32
            %rem3A_182 = arith.remsi %add3A_178, %rem3A_181 : i32
            %multiple_of3A_183 = tpu.assume_multiple %rem3A_182, 8 : i32
            %dma_start3A_184 = arith.constant 0 : i32
            %dma_start3A_185 = tpu.memref_slice %arg12[%multiple_of3A_183, %dma_start3A_184] : memref<64x125xi32, #tpu.memory_space<vmem>> -> memref<16x125xi32, #tpu.memory_space<vmem>>
            %dma_start3A_186 = arith.constant 0 : i32
            %dma_start3A_187 = tpu.memref_slice %arg3[%multiple_of3A_180, %dma_start3A_186] : memref<2560x125xi32, #tpu.memory_space<hbm>> -> memref<16x125xi32, #tpu.memory_space<hbm>>
            %dma_start3A_188 = arith.constant 0 : i32
            %dma_start3A_189 = tpu.memref_slice %arg12[%multiple_of3A_183, %dma_start3A_188] : memref<64x125xi32, #tpu.memory_space<vmem>> -> memref<16x125xi32, #tpu.memory_space<vmem>>
            %dma_start3A_190 = arith.constant 0 : i32
            %dma_start3A_191 = tpu.memref_slice %arg3[%multiple_of3A_180, %dma_start3A_190] : memref<2560x125xi32, #tpu.memory_space<hbm>> -> memref<16x125xi32, #tpu.memory_space<hbm>>
            tpu.enqueue_dma source(%dma_start3A_191 : memref<16x125xi32, #tpu.memory_space<hbm>>) target(%dma_start3A_189 : memref<16x125xi32, #tpu.memory_space<vmem>>) target_semaphore(%arg18 : memref<!tpu.dma_semaphore, #tpu.memory_space<semaphore_mem>>)
            %dma_start3A_192 = arith.constant 0 : i32
            %dma_start3A_193 = tpu.memref_slice %arg13[%multiple_of3A_183, %dma_start3A_192] : memref<64x125xi32, #tpu.memory_space<vmem>> -> memref<16x125xi32, #tpu.memory_space<vmem>>
            %dma_start3A_194 = arith.constant 0 : i32
            %dma_start3A_195 = tpu.memref_slice %arg4[%multiple_of3A_180, %dma_start3A_194] : memref<2560x125xi32, #tpu.memory_space<hbm>> -> memref<16x125xi32, #tpu.memory_space<hbm>>
            %dma_start3A_196 = arith.constant 0 : i32
            %dma_start3A_197 = tpu.memref_slice %arg13[%multiple_of3A_183, %dma_start3A_196] : memref<64x125xi32, #tpu.memory_space<vmem>> -> memref<16x125xi32, #tpu.memory_space<vmem>>
            %dma_start3A_198 = arith.constant 0 : i32
            %dma_start3A_199 = tpu.memref_slice %arg4[%multiple_of3A_180, %dma_start3A_198] : memref<2560x125xi32, #tpu.memory_space<hbm>> -> memref<16x125xi32, #tpu.memory_space<hbm>>
            tpu.enqueue_dma source(%dma_start3A_199 : memref<16x125xi32, #tpu.memory_space<hbm>>) target(%dma_start3A_197 : memref<16x125xi32, #tpu.memory_space<vmem>>) target_semaphore(%arg18 : memref<!tpu.dma_semaphore, #tpu.memory_space<semaphore_mem>>)
          } else {
          }
        } else {
        }
        %lt3A_130 = arith.constant 160 : i32
        %lt3A_131 = arith.cmpi slt, %add3A_118, %lt3A_130 : i32
        %convert_element_type3A_132 = arith.extui %lt3A_131 : i1 to i32
        %cond3A_133 = arith.constant 0 : i32
        %cond3A_134 = arith.cmpi ne, %convert_element_type3A_132, %cond3A_133 : i32
        scf.if %cond3A_134 {
          %dma_start3A_166 = arith.constant 0 : i32
          %dma_start3A_167 = tpu.memref_slice %arg12[%rem3A_120, %dma_start3A_166] : memref<64x125xi32, #tpu.memory_space<vmem>> -> memref<1x125xi32, #tpu.memory_space<vmem>>
          %dma_start3A_168 = tpu.memref_squeeze %dma_start3A_167 : memref<1x125xi32, #tpu.memory_space<vmem>> -> memref<125xi32, #tpu.memory_space<vmem>>
          %dma_start3A_169 = arith.constant 0 : i32
          %dma_start3A_170 = arith.constant 0 : i32
          %dma_start3A_171 = tpu.memref_slice %arg2[%dma_start3A_169, %dma_start3A_170] : memref<10000x128xf32, #tpu.memory_space<hbm>> -> memref<10000x128xf32, #tpu.memory_space<hbm>>
          tpu.enqueue_indirect_dma source(%dma_start3A_171 : memref<10000x128xf32, #tpu.memory_space<hbm>>) target(%arg14 : memref<125x128xf32, #tpu.memory_space<vmem>>) offsets(%dma_start3A_168 : memref<125xi32, #tpu.memory_space<vmem>>) semaphore(%arg16 : memref<!tpu.dma_semaphore, #tpu.memory_space<semaphore_mem>>)
        } else {
        }
        %mul3A_135 = arith.constant 2 : i32
        %mul3A_136 = arith.muli %scan3A_105, %mul3A_135 : i32
        %add3A_137 = arith.constant 1 : i32
        %add3A_138 = arith.addi %mul3A_136, %add3A_137 : i32
        %rem3A_139 = arith.constant 64 : i32
        %rem3A_140 = arith.remsi %add3A_138, %rem3A_139 : i32
        %dma_wait3A_141 = arith.constant 0 : i32
        %dma_wait3A_142 = tpu.memref_slice %arg12[%rem3A_140, %dma_wait3A_141] : memref<64x125xi32, #tpu.memory_space<vmem>> -> memref<1x125xi32, #tpu.memory_space<vmem>>
        %dma_wait3A_143 = tpu.memref_squeeze %dma_wait3A_142 : memref<1x125xi32, #tpu.memory_space<vmem>> -> memref<125xi32, #tpu.memory_space<vmem>>
        %dma_wait3A_144 = arith.constant 0 : i32
        %dma_wait3A_145 = arith.constant 0 : i32
        %dma_wait3A_146 = tpu.memref_slice %arg2[%dma_wait3A_144, %dma_wait3A_145] : memref<10000x128xf32, #tpu.memory_space<hbm>> -> memref<10000x128xf32, #tpu.memory_space<hbm>>
        tpu.wait_indirect_dma semaphore(%arg17 : memref<!tpu.dma_semaphore, #tpu.memory_space<semaphore_mem>>) src(%dma_wait3A_146 : memref<10000x128xf32, #tpu.memory_space<hbm>>) dst(%arg15 : memref<125x128xf32, #tpu.memory_space<vmem>>)
        "tpu.region"() ({
          %run_scoped3A = tpu.sem_alloc : memref<!tpu.dma_semaphore, #tpu.memory_space<semaphore_mem>>
          %dma_start3A_166 = arith.constant 0 : i32
          %dma_start3A_167 = tpu.memref_slice %arg13[%rem3A_140, %dma_start3A_166] : memref<64x125xi32, #tpu.memory_space<vmem>> -> memref<1x125xi32, #tpu.memory_space<vmem>>
          %dma_start3A_168 = tpu.memref_squeeze %dma_start3A_167 : memref<1x125xi32, #tpu.memory_space<vmem>> -> memref<125xi32, #tpu.memory_space<vmem>>
          %dma_start3A_169 = arith.constant 0 : i32
          %dma_start3A_170 = arith.constant 0 : i32
          %dma_start3A_171 = tpu.memref_slice %arg11[%dma_start3A_169, %dma_start3A_170] : memref<10240x128xf32, #tpu.memory_space<vmem_shared>> -> memref<10240x128xf32, #tpu.memory_space<vmem_shared>>
          tpu.enqueue_indirect_dma source(%arg15 : memref<125x128xf32, #tpu.memory_space<vmem>>) target(%dma_start3A_171 : memref<10240x128xf32, #tpu.memory_space<vmem_shared>>) offsets(%dma_start3A_168 : memref<125xi32, #tpu.memory_space<vmem>>) semaphore(%run_scoped3A : memref<!tpu.dma_semaphore, #tpu.memory_space<semaphore_mem>>) {add = true}
          %dma_wait3A_172 = arith.constant 0 : i32
          %dma_wait3A_173 = tpu.memref_slice %arg13[%rem3A_140, %dma_wait3A_172] : memref<64x125xi32, #tpu.memory_space<vmem>> -> memref<1x125xi32, #tpu.memory_space<vmem>>
          %dma_wait3A_174 = tpu.memref_squeeze %dma_wait3A_173 : memref<1x125xi32, #tpu.memory_space<vmem>> -> memref<125xi32, #tpu.memory_space<vmem>>
          %dma_wait3A_175 = arith.constant 0 : i32
          %dma_wait3A_176 = arith.constant 0 : i32
          %dma_wait3A_177 = tpu.memref_slice %arg11[%dma_wait3A_175, %dma_wait3A_176] : memref<10240x128xf32, #tpu.memory_space<vmem_shared>> -> memref<10240x128xf32, #tpu.memory_space<vmem_shared>>
          tpu.wait_indirect_dma semaphore(%run_scoped3A : memref<!tpu.dma_semaphore, #tpu.memory_space<semaphore_mem>>) src(%arg15 : memref<125x128xf32, #tpu.memory_space<vmem>>) dst(%dma_wait3A_177 : memref<10240x128xf32, #tpu.memory_space<vmem_shared>>)
          tpu.yield
        }) : () -> ()
        %add3A_147 = arith.constant 2 : i32
        %add3A_148 = arith.addi %add3A_138, %add3A_147 : i32
        %rem3A_149 = arith.constant 64 : i32
        %rem3A_150 = arith.remsi %add3A_148, %rem3A_149 : i32
        %rem3A_151 = arith.constant 16 : i32
        %rem3A_152 = arith.remsi %add3A_148, %rem3A_151 : i32
        %eq3A_153 = arith.constant 0 : i32
        %eq3A_154 = arith.cmpi eq, %rem3A_152, %eq3A_153 : i32
        %lt3A_155 = arith.constant 160 : i32
        %lt3A_156 = arith.cmpi slt, %add3A_148, %lt3A_155 : i32
        %and3A_157 = arith.andi %eq3A_154, %lt3A_156 : i1
        %convert_element_type3A_158 = arith.extui %and3A_157 : i1 to i32
        %cond3A_159 = arith.constant 0 : i32
        %cond3A_160 = arith.cmpi ne, %convert_element_type3A_158, %cond3A_159 : i32
        scf.if %cond3A_160 {
          %ge3A = arith.constant 32 : i32
          %ge3A_166 = arith.cmpi sge, %add3A_148, %ge3A : i32
          %convert_element_type3A_167 = arith.extui %ge3A_166 : i1 to i32
          %cond3A_168 = arith.constant 0 : i32
          %cond3A_169 = arith.cmpi ne, %convert_element_type3A_167, %cond3A_168 : i32
          scf.if %cond3A_169 {
            %add3A_177 = arith.addi %add3A_60, %add3A_148 : i32
            %multiple_of3A_178 = tpu.assume_multiple %add3A_177, 8 : i32
            %rem3A_179 = arith.constant 64 : i32
            %rem3A_180 = arith.remsi %add3A_148, %rem3A_179 : i32
            %multiple_of3A_181 = tpu.assume_multiple %rem3A_180, 8 : i32
            %dma_wait3A_182 = arith.constant 0 : i32
            %dma_wait3A_183 = tpu.memref_slice %arg12[%multiple_of3A_181, %dma_wait3A_182] : memref<64x125xi32, #tpu.memory_space<vmem>> -> memref<16x125xi32, #tpu.memory_space<vmem>>
            %dma_wait3A_184 = arith.constant 0 : i32
            %dma_wait3A_185 = tpu.memref_slice %arg3[%multiple_of3A_178, %dma_wait3A_184] : memref<2560x125xi32, #tpu.memory_space<hbm>> -> memref<16x125xi32, #tpu.memory_space<hbm>>
            %dma_wait3A_186 = arith.constant 0 : i32
            %dma_wait3A_187 = tpu.memref_slice %arg12[%multiple_of3A_181, %dma_wait3A_186] : memref<64x125xi32, #tpu.memory_space<vmem>> -> memref<16x125xi32, #tpu.memory_space<vmem>>
            %dma_wait3A_188 = arith.constant 0 : i32
            %dma_wait3A_189 = tpu.memref_slice %arg3[%multiple_of3A_178, %dma_wait3A_188] : memref<2560x125xi32, #tpu.memory_space<hbm>> -> memref<16x125xi32, #tpu.memory_space<hbm>>
            tpu.wait_dma2 semaphore(%arg18 : memref<!tpu.dma_semaphore, #tpu.memory_space<semaphore_mem>>) src(%dma_wait3A_189 : memref<16x125xi32, #tpu.memory_space<hbm>>) dst(%dma_wait3A_187 : memref<16x125xi32, #tpu.memory_space<vmem>>)
            %dma_wait3A_190 = arith.constant 0 : i32
            %dma_wait3A_191 = tpu.memref_slice %arg13[%multiple_of3A_181, %dma_wait3A_190] : memref<64x125xi32, #tpu.memory_space<vmem>> -> memref<16x125xi32, #tpu.memory_space<vmem>>
            %dma_wait3A_192 = arith.constant 0 : i32
            %dma_wait3A_193 = tpu.memref_slice %arg4[%multiple_of3A_178, %dma_wait3A_192] : memref<2560x125xi32, #tpu.memory_space<hbm>> -> memref<16x125xi32, #tpu.memory_space<hbm>>
            %dma_wait3A_194 = arith.constant 0 : i32
            %dma_wait3A_195 = tpu.memref_slice %arg13[%multiple_of3A_181, %dma_wait3A_194] : memref<64x125xi32, #tpu.memory_space<vmem>> -> memref<16x125xi32, #tpu.memory_space<vmem>>
            %dma_wait3A_196 = arith.constant 0 : i32
            %dma_wait3A_197 = tpu.memref_slice %arg4[%multiple_of3A_178, %dma_wait3A_196] : memref<2560x125xi32, #tpu.memory_space<hbm>> -> memref<16x125xi32, #tpu.memory_space<hbm>>
            tpu.wait_dma2 semaphore(%arg18 : memref<!tpu.dma_semaphore, #tpu.memory_space<semaphore_mem>>) src(%dma_wait3A_197 : memref<16x125xi32, #tpu.memory_space<hbm>>) dst(%dma_wait3A_195 : memref<16x125xi32, #tpu.memory_space<vmem>>)
          } else {
          }
          %add3A_170 = arith.constant 16 : i32
          %add3A_171 = arith.addi %add3A_148, %add3A_170 : i32
          %lt3A_172 = arith.constant 160 : i32
          %lt3A_173 = arith.cmpi slt, %add3A_171, %lt3A_172 : i32
          %convert_element_type3A_174 = arith.extui %lt3A_173 : i1 to i32
          %cond3A_175 = arith.constant 0 : i32
          %cond3A_176 = arith.cmpi ne, %convert_element_type3A_174, %cond3A_175 : i32
          scf.if %cond3A_176 {
            %add3A_177 = arith.constant 16 : i32
            %add3A_178 = arith.addi %add3A_148, %add3A_177 : i32
            %add3A_179 = arith.addi %add3A_60, %add3A_178 : i32
            %multiple_of3A_180 = tpu.assume_multiple %add3A_179, 8 : i32
            %rem3A_181 = arith.constant 64 : i32
            %rem3A_182 = arith.remsi %add3A_178, %rem3A_181 : i32
            %multiple_of3A_183 = tpu.assume_multiple %rem3A_182, 8 : i32
            %dma_start3A_184 = arith.constant 0 : i32
            %dma_start3A_185 = tpu.memref_slice %arg12[%multiple_of3A_183, %dma_start3A_184] : memref<64x125xi32, #tpu.memory_space<vmem>> -> memref<16x125xi32, #tpu.memory_space<vmem>>
            %dma_start3A_186 = arith.constant 0 : i32
            %dma_start3A_187 = tpu.memref_slice %arg3[%multiple_of3A_180, %dma_start3A_186] : memref<2560x125xi32, #tpu.memory_space<hbm>> -> memref<16x125xi32, #tpu.memory_space<hbm>>
            %dma_start3A_188 = arith.constant 0 : i32
            %dma_start3A_189 = tpu.memref_slice %arg12[%multiple_of3A_183, %dma_start3A_188] : memref<64x125xi32, #tpu.memory_space<vmem>> -> memref<16x125xi32, #tpu.memory_space<vmem>>
            %dma_start3A_190 = arith.constant 0 : i32
            %dma_start3A_191 = tpu.memref_slice %arg3[%multiple_of3A_180, %dma_start3A_190] : memref<2560x125xi32, #tpu.memory_space<hbm>> -> memref<16x125xi32, #tpu.memory_space<hbm>>
            tpu.enqueue_dma source(%dma_start3A_191 : memref<16x125xi32, #tpu.memory_space<hbm>>) target(%dma_start3A_189 : memref<16x125xi32, #tpu.memory_space<vmem>>) target_semaphore(%arg18 : memref<!tpu.dma_semaphore, #tpu.memory_space<semaphore_mem>>)
            %dma_start3A_192 = arith.constant 0 : i32
            %dma_start3A_193 = tpu.memref_slice %arg13[%multiple_of3A_183, %dma_start3A_192] : memref<64x125xi32, #tpu.memory_space<vmem>> -> memref<16x125xi32, #tpu.memory_space<vmem>>
            %dma_start3A_194 = arith.constant 0 : i32
            %dma_start3A_195 = tpu.memref_slice %arg4[%multiple_of3A_180, %dma_start3A_194] : memref<2560x125xi32, #tpu.memory_space<hbm>> -> memref<16x125xi32, #tpu.memory_space<hbm>>
            %dma_start3A_196 = arith.constant 0 : i32
            %dma_start3A_197 = tpu.memref_slice %arg13[%multiple_of3A_183, %dma_start3A_196] : memref<64x125xi32, #tpu.memory_space<vmem>> -> memref<16x125xi32, #tpu.memory_space<vmem>>
            %dma_start3A_198 = arith.constant 0 : i32
            %dma_start3A_199 = tpu.memref_slice %arg4[%multiple_of3A_180, %dma_start3A_198] : memref<2560x125xi32, #tpu.memory_space<hbm>> -> memref<16x125xi32, #tpu.memory_space<hbm>>
            tpu.enqueue_dma source(%dma_start3A_199 : memref<16x125xi32, #tpu.memory_space<hbm>>) target(%dma_start3A_197 : memref<16x125xi32, #tpu.memory_space<vmem>>) target_semaphore(%arg18 : memref<!tpu.dma_semaphore, #tpu.memory_space<semaphore_mem>>)
          } else {
          }
        } else {
        }
        %lt3A_161 = arith.constant 160 : i32
        %lt3A_162 = arith.cmpi slt, %add3A_148, %lt3A_161 : i32
        %convert_element_type3A_163 = arith.extui %lt3A_162 : i1 to i32
        %cond3A_164 = arith.constant 0 : i32
        %cond3A_165 = arith.cmpi ne, %convert_element_type3A_163, %cond3A_164 : i32
        scf.if %cond3A_165 {
          %dma_start3A_166 = arith.constant 0 : i32
          %dma_start3A_167 = tpu.memref_slice %arg12[%rem3A_150, %dma_start3A_166] : memref<64x125xi32, #tpu.memory_space<vmem>> -> memref<1x125xi32, #tpu.memory_space<vmem>>
          %dma_start3A_168 = tpu.memref_squeeze %dma_start3A_167 : memref<1x125xi32, #tpu.memory_space<vmem>> -> memref<125xi32, #tpu.memory_space<vmem>>
          %dma_start3A_169 = arith.constant 0 : i32
          %dma_start3A_170 = arith.constant 0 : i32
          %dma_start3A_171 = tpu.memref_slice %arg2[%dma_start3A_169, %dma_start3A_170] : memref<10000x128xf32, #tpu.memory_space<hbm>> -> memref<10000x128xf32, #tpu.memory_space<hbm>>
          tpu.enqueue_indirect_dma source(%dma_start3A_171 : memref<10000x128xf32, #tpu.memory_space<hbm>>) target(%arg15 : memref<125x128xf32, #tpu.memory_space<vmem>>) offsets(%dma_start3A_168 : memref<125xi32, #tpu.memory_space<vmem>>) semaphore(%arg17 : memref<!tpu.dma_semaphore, #tpu.memory_space<semaphore_mem>>)
        } else {
        }
      }
      %scan3A_94 = arith.constant 80 : i32
      %barrier3A_95 = arith.constant 0 : index
      tpu.barrier barrier_id(%barrier3A_95)
      %lt3A = arith.constant 15 : i32
      %lt3A_96 = arith.cmpi slt, %arg1, %lt3A : i32
      %convert_element_type3A_97 = arith.extui %lt3A_96 : i1 to i32
      %cond3A_98 = arith.constant 0 : i32
      %cond3A_99 = arith.cmpi ne, %convert_element_type3A_97, %cond3A_98 : i32
      scf.if %cond3A_99 {
        %mul3A_105 = arith.constant 640 : i32
        %mul3A_106 = arith.muli %arg1, %mul3A_105 : i32
        %mul3A_107 = arith.constant 640 : i32
        %mul3A_108 = arith.muli %arg1, %mul3A_107 : i32
        "tpu.region"() ({
          %run_scoped3A = tpu.sem_alloc : memref<!tpu.dma_semaphore, #tpu.memory_space<semaphore_mem>>
          %dma_start3A_109 = arith.constant 0 : i32
          %dma_start3A_110 = tpu.memref_slice %arg8[%mul3A_108, %dma_start3A_109] : memref<10000x128xf32, #tpu.memory_space<hbm>> -> memref<640x128xf32, #tpu.memory_space<hbm>>
          %dma_start3A_111 = arith.constant 0 : i32
          %dma_start3A_112 = tpu.memref_slice %arg11[%mul3A_106, %dma_start3A_111] : memref<10240x128xf32, #tpu.memory_space<vmem_shared>> -> memref<640x128xf32, #tpu.memory_space<vmem_shared>>
          tpu.enqueue_dma source(%dma_start3A_112 : memref<640x128xf32, #tpu.memory_space<vmem_shared>>) target(%dma_start3A_110 : memref<640x128xf32, #tpu.memory_space<hbm>>) target_semaphore(%run_scoped3A : memref<!tpu.dma_semaphore, #tpu.memory_space<semaphore_mem>>)
          %dma_wait3A = arith.constant 0 : i32
          %dma_wait3A_113 = tpu.memref_slice %arg8[%mul3A_108, %dma_wait3A] : memref<10000x128xf32, #tpu.memory_space<hbm>> -> memref<640x128xf32, #tpu.memory_space<hbm>>
          %dma_wait3A_114 = arith.constant 0 : i32
          %dma_wait3A_115 = tpu.memref_slice %arg11[%mul3A_106, %dma_wait3A_114] : memref<10240x128xf32, #tpu.memory_space<vmem_shared>> -> memref<640x128xf32, #tpu.memory_space<vmem_shared>>
          tpu.wait_dma2 semaphore(%run_scoped3A : memref<!tpu.dma_semaphore, #tpu.memory_space<semaphore_mem>>) src(%dma_wait3A_115 : memref<640x128xf32, #tpu.memory_space<vmem_shared>>) dst(%dma_wait3A_113 : memref<640x128xf32, #tpu.memory_space<hbm>>)
          tpu.yield
        }) : () -> ()
      } else {
      }
      %eq3A_100 = arith.constant 15 : i32
      %eq3A_101 = arith.cmpi eq, %arg1, %eq3A_100 : i32
      %convert_element_type3A_102 = arith.extui %eq3A_101 : i1 to i32
      %cond3A_103 = arith.constant 0 : i32
      %cond3A_104 = arith.cmpi ne, %convert_element_type3A_102, %cond3A_103 : i32
      scf.if %cond3A_104 {
        "tpu.region"() ({
          %run_scoped3A = tpu.sem_alloc : memref<!tpu.dma_semaphore, #tpu.memory_space<semaphore_mem>>
          %dma_start3A_105 = arith.constant 9600 : i32
          %dma_start3A_106 = arith.constant 0 : i32
          %dma_start3A_107 = tpu.memref_slice %arg8[%dma_start3A_105, %dma_start3A_106] : memref<10000x128xf32, #tpu.memory_space<hbm>> -> memref<400x128xf32, #tpu.memory_space<hbm>>
          %dma_start3A_108 = arith.constant 9600 : i32
          %dma_start3A_109 = arith.constant 0 : i32
          %dma_start3A_110 = tpu.memref_slice %arg11[%dma_start3A_108, %dma_start3A_109] : memref<10240x128xf32, #tpu.memory_space<vmem_shared>> -> memref<400x128xf32, #tpu.memory_space<vmem_shared>>
          tpu.enqueue_dma source(%dma_start3A_110 : memref<400x128xf32, #tpu.memory_space<vmem_shared>>) target(%dma_start3A_107 : memref<400x128xf32, #tpu.memory_space<hbm>>) target_semaphore(%run_scoped3A : memref<!tpu.dma_semaphore, #tpu.memory_space<semaphore_mem>>)
          %dma_wait3A = arith.constant 9600 : i32
          %dma_wait3A_111 = arith.constant 0 : i32
          %dma_wait3A_112 = tpu.memref_slice %arg8[%dma_wait3A, %dma_wait3A_111] : memref<10000x128xf32, #tpu.memory_space<hbm>> -> memref<400x128xf32, #tpu.memory_space<hbm>>
          %dma_wait3A_113 = arith.constant 9600 : i32
          %dma_wait3A_114 = arith.constant 0 : i32
          %dma_wait3A_115 = tpu.memref_slice %arg11[%dma_wait3A_113, %dma_wait3A_114] : memref<10240x128xf32, #tpu.memory_space<vmem_shared>> -> memref<400x128xf32, #tpu.memory_space<vmem_shared>>
          tpu.wait_dma2 semaphore(%run_scoped3A : memref<!tpu.dma_semaphore, #tpu.memory_space<semaphore_mem>>) src(%dma_wait3A_115 : memref<400x128xf32, #tpu.memory_space<vmem_shared>>) dst(%dma_wait3A_112 : memref<400x128xf32, #tpu.memory_space<hbm>>)
          tpu.yield
        }) : () -> ()
      } else {
      }
    } else {
    }
    %eq3A_7 = arith.constant 1 : i32
    %eq3A_8 = arith.cmpi eq, %arg0, %eq3A_7 : i32
    %convert_element_type3A_9 = arith.extui %eq3A_8 : i1 to i32
    %cond3A_10 = arith.constant 0 : i32
    %cond3A_11 = arith.cmpi ne, %convert_element_type3A_9, %cond3A_10 : i32
    scf.if %cond3A_11 {
      %mul3A = arith.constant 240 : i32
      %mul3A_12 = arith.muli %arg1, %mul3A : i32
      %add3A = arith.constant 0 : i32
      %add3A_13 = arith.addi %add3A, %mul3A_12 : i32
      %add3A_14 = arith.constant 0 : i32
      %add3A_15 = arith.addi %add3A_13, %add3A_14 : i32
      %multiple_of3A = tpu.assume_multiple %add3A_15, 8 : i32
      %rem3A = arith.constant 0 : i32
      %rem3A_16 = arith.constant 64 : i32
      %rem3A_17 = arith.remsi %rem3A, %rem3A_16 : i32
      %multiple_of3A_18 = tpu.assume_multiple %rem3A_17, 8 : i32
      "tpu.region"() ({
        %run_scoped3A = tpu.sem_alloc : memref<!tpu.dma_semaphore, #tpu.memory_space<semaphore_mem>>
        %dma_start3A_50 = arith.constant 0 : i32
        %dma_start3A_51 = tpu.memref_slice %arg12[%multiple_of3A_18, %dma_start3A_50] : memref<64x125xi32, #tpu.memory_space<vmem>> -> memref<16x125xi32, #tpu.memory_space<vmem>>
        %dma_start3A_52 = arith.constant 0 : i32
        %dma_start3A_53 = tpu.memref_slice %arg5[%multiple_of3A, %dma_start3A_52] : memref<5120x125xi32, #tpu.memory_space<hbm>> -> memref<16x125xi32, #tpu.memory_space<hbm>>
        %dma_start3A_54 = arith.constant 0 : i32
        %dma_start3A_55 = tpu.memref_slice %arg12[%multiple_of3A_18, %dma_start3A_54] : memref<64x125xi32, #tpu.memory_space<vmem>> -> memref<16x125xi32, #tpu.memory_space<vmem>>
        %dma_start3A_56 = arith.constant 0 : i32
        %dma_start3A_57 = tpu.memref_slice %arg5[%multiple_of3A, %dma_start3A_56] : memref<5120x125xi32, #tpu.memory_space<hbm>> -> memref<16x125xi32, #tpu.memory_space<hbm>>
        tpu.enqueue_dma source(%dma_start3A_57 : memref<16x125xi32, #tpu.memory_space<hbm>>) target(%dma_start3A_55 : memref<16x125xi32, #tpu.memory_space<vmem>>) target_semaphore(%run_scoped3A : memref<!tpu.dma_semaphore, #tpu.memory_space<semaphore_mem>>)
        %dma_wait3A = arith.constant 0 : i32
        %dma_wait3A_58 = tpu.memref_slice %arg12[%multiple_of3A_18, %dma_wait3A] : memref<64x125xi32, #tpu.memory_space<vmem>> -> memref<16x125xi32, #tpu.memory_space<vmem>>
        %dma_wait3A_59 = arith.constant 0 : i32
        %dma_wait3A_60 = tpu.memref_slice %arg5[%multiple_of3A, %dma_wait3A_59] : memref<5120x125xi32, #tpu.memory_space<hbm>> -> memref<16x125xi32, #tpu.memory_space<hbm>>
        %dma_wait3A_61 = arith.constant 0 : i32
        %dma_wait3A_62 = tpu.memref_slice %arg12[%multiple_of3A_18, %dma_wait3A_61] : memref<64x125xi32, #tpu.memory_space<vmem>> -> memref<16x125xi32, #tpu.memory_space<vmem>>
        %dma_wait3A_63 = arith.constant 0 : i32
        %dma_wait3A_64 = tpu.memref_slice %arg5[%multiple_of3A, %dma_wait3A_63] : memref<5120x125xi32, #tpu.memory_space<hbm>> -> memref<16x125xi32, #tpu.memory_space<hbm>>
        tpu.wait_dma2 semaphore(%run_scoped3A : memref<!tpu.dma_semaphore, #tpu.memory_space<semaphore_mem>>) src(%dma_wait3A_64 : memref<16x125xi32, #tpu.memory_space<hbm>>) dst(%dma_wait3A_62 : memref<16x125xi32, #tpu.memory_space<vmem>>)
        tpu.yield
      }) : () -> ()
      "tpu.region"() ({
        %run_scoped3A = tpu.sem_alloc : memref<!tpu.dma_semaphore, #tpu.memory_space<semaphore_mem>>
        %dma_start3A_50 = arith.constant 0 : i32
        %dma_start3A_51 = tpu.memref_slice %arg13[%multiple_of3A_18, %dma_start3A_50] : memref<64x125xi32, #tpu.memory_space<vmem>> -> memref<16x125xi32, #tpu.memory_space<vmem>>
        %dma_start3A_52 = arith.constant 0 : i32
        %dma_start3A_53 = tpu.memref_slice %arg6[%multiple_of3A, %dma_start3A_52] : memref<5120x125xi32, #tpu.memory_space<hbm>> -> memref<16x125xi32, #tpu.memory_space<hbm>>
        %dma_start3A_54 = arith.constant 0 : i32
        %dma_start3A_55 = tpu.memref_slice %arg13[%multiple_of3A_18, %dma_start3A_54] : memref<64x125xi32, #tpu.memory_space<vmem>> -> memref<16x125xi32, #tpu.memory_space<vmem>>
        %dma_start3A_56 = arith.constant 0 : i32
        %dma_start3A_57 = tpu.memref_slice %arg6[%multiple_of3A, %dma_start3A_56] : memref<5120x125xi32, #tpu.memory_space<hbm>> -> memref<16x125xi32, #tpu.memory_space<hbm>>
        tpu.enqueue_dma source(%dma_start3A_57 : memref<16x125xi32, #tpu.memory_space<hbm>>) target(%dma_start3A_55 : memref<16x125xi32, #tpu.memory_space<vmem>>) target_semaphore(%run_scoped3A : memref<!tpu.dma_semaphore, #tpu.memory_space<semaphore_mem>>)
        %dma_wait3A = arith.constant 0 : i32
        %dma_wait3A_58 = tpu.memref_slice %arg13[%multiple_of3A_18, %dma_wait3A] : memref<64x125xi32, #tpu.memory_space<vmem>> -> memref<16x125xi32, #tpu.memory_space<vmem>>
        %dma_wait3A_59 = arith.constant 0 : i32
        %dma_wait3A_60 = tpu.memref_slice %arg6[%multiple_of3A, %dma_wait3A_59] : memref<5120x125xi32, #tpu.memory_space<hbm>> -> memref<16x125xi32, #tpu.memory_space<hbm>>
        %dma_wait3A_61 = arith.constant 0 : i32
        %dma_wait3A_62 = tpu.memref_slice %arg13[%multiple_of3A_18, %dma_wait3A_61] : memref<64x125xi32, #tpu.memory_space<vmem>> -> memref<16x125xi32, #tpu.memory_space<vmem>>
        %dma_wait3A_63 = arith.constant 0 : i32
        %dma_wait3A_64 = tpu.memref_slice %arg6[%multiple_of3A, %dma_wait3A_63] : memref<5120x125xi32, #tpu.memory_space<hbm>> -> memref<16x125xi32, #tpu.memory_space<hbm>>
        tpu.wait_dma2 semaphore(%run_scoped3A : memref<!tpu.dma_semaphore, #tpu.memory_space<semaphore_mem>>) src(%dma_wait3A_64 : memref<16x125xi32, #tpu.memory_space<hbm>>) dst(%dma_wait3A_62 : memref<16x125xi32, #tpu.memory_space<vmem>>)
        tpu.yield
      }) : () -> ()
      %add3A_19 = arith.constant 16 : i32
      %add3A_20 = arith.addi %add3A_13, %add3A_19 : i32
      %multiple_of3A_21 = tpu.assume_multiple %add3A_20, 8 : i32
      %rem3A_22 = arith.constant 16 : i32
      %rem3A_23 = arith.constant 64 : i32
      %rem3A_24 = arith.remsi %rem3A_22, %rem3A_23 : i32
      %multiple_of3A_25 = tpu.assume_multiple %rem3A_24, 8 : i32
      "tpu.region"() ({
        %run_scoped3A = tpu.sem_alloc : memref<!tpu.dma_semaphore, #tpu.memory_space<semaphore_mem>>
        %dma_start3A_50 = arith.constant 0 : i32
        %dma_start3A_51 = tpu.memref_slice %arg12[%multiple_of3A_25, %dma_start3A_50] : memref<64x125xi32, #tpu.memory_space<vmem>> -> memref<16x125xi32, #tpu.memory_space<vmem>>
        %dma_start3A_52 = arith.constant 0 : i32
        %dma_start3A_53 = tpu.memref_slice %arg5[%multiple_of3A_21, %dma_start3A_52] : memref<5120x125xi32, #tpu.memory_space<hbm>> -> memref<16x125xi32, #tpu.memory_space<hbm>>
        %dma_start3A_54 = arith.constant 0 : i32
        %dma_start3A_55 = tpu.memref_slice %arg12[%multiple_of3A_25, %dma_start3A_54] : memref<64x125xi32, #tpu.memory_space<vmem>> -> memref<16x125xi32, #tpu.memory_space<vmem>>
        %dma_start3A_56 = arith.constant 0 : i32
        %dma_start3A_57 = tpu.memref_slice %arg5[%multiple_of3A_21, %dma_start3A_56] : memref<5120x125xi32, #tpu.memory_space<hbm>> -> memref<16x125xi32, #tpu.memory_space<hbm>>
        tpu.enqueue_dma source(%dma_start3A_57 : memref<16x125xi32, #tpu.memory_space<hbm>>) target(%dma_start3A_55 : memref<16x125xi32, #tpu.memory_space<vmem>>) target_semaphore(%run_scoped3A : memref<!tpu.dma_semaphore, #tpu.memory_space<semaphore_mem>>)
        %dma_wait3A = arith.constant 0 : i32
        %dma_wait3A_58 = tpu.memref_slice %arg12[%multiple_of3A_25, %dma_wait3A] : memref<64x125xi32, #tpu.memory_space<vmem>> -> memref<16x125xi32, #tpu.memory_space<vmem>>
        %dma_wait3A_59 = arith.constant 0 : i32
        %dma_wait3A_60 = tpu.memref_slice %arg5[%multiple_of3A_21, %dma_wait3A_59] : memref<5120x125xi32, #tpu.memory_space<hbm>> -> memref<16x125xi32, #tpu.memory_space<hbm>>
        %dma_wait3A_61 = arith.constant 0 : i32
        %dma_wait3A_62 = tpu.memref_slice %arg12[%multiple_of3A_25, %dma_wait3A_61] : memref<64x125xi32, #tpu.memory_space<vmem>> -> memref<16x125xi32, #tpu.memory_space<vmem>>
        %dma_wait3A_63 = arith.constant 0 : i32
        %dma_wait3A_64 = tpu.memref_slice %arg5[%multiple_of3A_21, %dma_wait3A_63] : memref<5120x125xi32, #tpu.memory_space<hbm>> -> memref<16x125xi32, #tpu.memory_space<hbm>>
        tpu.wait_dma2 semaphore(%run_scoped3A : memref<!tpu.dma_semaphore, #tpu.memory_space<semaphore_mem>>) src(%dma_wait3A_64 : memref<16x125xi32, #tpu.memory_space<hbm>>) dst(%dma_wait3A_62 : memref<16x125xi32, #tpu.memory_space<vmem>>)
        tpu.yield
      }) : () -> ()
      "tpu.region"() ({
        %run_scoped3A = tpu.sem_alloc : memref<!tpu.dma_semaphore, #tpu.memory_space<semaphore_mem>>
        %dma_start3A_50 = arith.constant 0 : i32
        %dma_start3A_51 = tpu.memref_slice %arg13[%multiple_of3A_25, %dma_start3A_50] : memref<64x125xi32, #tpu.memory_space<vmem>> -> memref<16x125xi32, #tpu.memory_space<vmem>>
        %dma_start3A_52 = arith.constant 0 : i32
        %dma_start3A_53 = tpu.memref_slice %arg6[%multiple_of3A_21, %dma_start3A_52] : memref<5120x125xi32, #tpu.memory_space<hbm>> -> memref<16x125xi32, #tpu.memory_space<hbm>>
        %dma_start3A_54 = arith.constant 0 : i32
        %dma_start3A_55 = tpu.memref_slice %arg13[%multiple_of3A_25, %dma_start3A_54] : memref<64x125xi32, #tpu.memory_space<vmem>> -> memref<16x125xi32, #tpu.memory_space<vmem>>
        %dma_start3A_56 = arith.constant 0 : i32
        %dma_start3A_57 = tpu.memref_slice %arg6[%multiple_of3A_21, %dma_start3A_56] : memref<5120x125xi32, #tpu.memory_space<hbm>> -> memref<16x125xi32, #tpu.memory_space<hbm>>
        tpu.enqueue_dma source(%dma_start3A_57 : memref<16x125xi32, #tpu.memory_space<hbm>>) target(%dma_start3A_55 : memref<16x125xi32, #tpu.memory_space<vmem>>) target_semaphore(%run_scoped3A : memref<!tpu.dma_semaphore, #tpu.memory_space<semaphore_mem>>)
        %dma_wait3A = arith.constant 0 : i32
        %dma_wait3A_58 = tpu.memref_slice %arg13[%multiple_of3A_25, %dma_wait3A] : memref<64x125xi32, #tpu.memory_space<vmem>> -> memref<16x125xi32, #tpu.memory_space<vmem>>
        %dma_wait3A_59 = arith.constant 0 : i32
        %dma_wait3A_60 = tpu.memref_slice %arg6[%multiple_of3A_21, %dma_wait3A_59] : memref<5120x125xi32, #tpu.memory_space<hbm>> -> memref<16x125xi32, #tpu.memory_space<hbm>>
        %dma_wait3A_61 = arith.constant 0 : i32
        %dma_wait3A_62 = tpu.memref_slice %arg13[%multiple_of3A_25, %dma_wait3A_61] : memref<64x125xi32, #tpu.memory_space<vmem>> -> memref<16x125xi32, #tpu.memory_space<vmem>>
        %dma_wait3A_63 = arith.constant 0 : i32
        %dma_wait3A_64 = tpu.memref_slice %arg6[%multiple_of3A_21, %dma_wait3A_63] : memref<5120x125xi32, #tpu.memory_space<hbm>> -> memref<16x125xi32, #tpu.memory_space<hbm>>
        tpu.wait_dma2 semaphore(%run_scoped3A : memref<!tpu.dma_semaphore, #tpu.memory_space<semaphore_mem>>) src(%dma_wait3A_64 : memref<16x125xi32, #tpu.memory_space<hbm>>) dst(%dma_wait3A_62 : memref<16x125xi32, #tpu.memory_space<vmem>>)
        tpu.yield
      }) : () -> ()
      %dma_start3A = arith.constant 0 : i32
      %dma_start3A_26 = arith.constant 0 : i32
      %dma_start3A_27 = tpu.memref_slice %arg12[%dma_start3A, %dma_start3A_26] : memref<64x125xi32, #tpu.memory_space<vmem>> -> memref<1x125xi32, #tpu.memory_space<vmem>>
      %dma_start3A_28 = tpu.memref_squeeze %dma_start3A_27 : memref<1x125xi32, #tpu.memory_space<vmem>> -> memref<125xi32, #tpu.memory_space<vmem>>
      %dma_start3A_29 = arith.constant 0 : i32
      %dma_start3A_30 = arith.constant 0 : i32
      %dma_start3A_31 = tpu.memref_slice %arg2[%dma_start3A_29, %dma_start3A_30] : memref<10000x128xf32, #tpu.memory_space<hbm>> -> memref<10000x128xf32, #tpu.memory_space<hbm>>
      tpu.enqueue_indirect_dma source(%dma_start3A_31 : memref<10000x128xf32, #tpu.memory_space<hbm>>) target(%arg14 : memref<125x128xf32, #tpu.memory_space<vmem>>) offsets(%dma_start3A_28 : memref<125xi32, #tpu.memory_space<vmem>>) semaphore(%arg16 : memref<!tpu.dma_semaphore, #tpu.memory_space<semaphore_mem>>)
      %dma_start3A_32 = arith.constant 1 : i32
      %dma_start3A_33 = arith.constant 0 : i32
      %dma_start3A_34 = tpu.memref_slice %arg12[%dma_start3A_32, %dma_start3A_33] : memref<64x125xi32, #tpu.memory_space<vmem>> -> memref<1x125xi32, #tpu.memory_space<vmem>>
      %dma_start3A_35 = tpu.memref_squeeze %dma_start3A_34 : memref<1x125xi32, #tpu.memory_space<vmem>> -> memref<125xi32, #tpu.memory_space<vmem>>
      %dma_start3A_36 = arith.constant 0 : i32
      %dma_start3A_37 = arith.constant 0 : i32
      %dma_start3A_38 = tpu.memref_slice %arg2[%dma_start3A_36, %dma_start3A_37] : memref<10000x128xf32, #tpu.memory_space<hbm>> -> memref<10000x128xf32, #tpu.memory_space<hbm>>
      tpu.enqueue_indirect_dma source(%dma_start3A_38 : memref<10000x128xf32, #tpu.memory_space<hbm>>) target(%arg15 : memref<125x128xf32, #tpu.memory_space<vmem>>) offsets(%dma_start3A_35 : memref<125xi32, #tpu.memory_space<vmem>>) semaphore(%arg17 : memref<!tpu.dma_semaphore, #tpu.memory_space<semaphore_mem>>)
      %scan3A_39 = arith.constant 0 : i32
      %scan3A_40 = arith.constant 0 : i32
      %scan3A_41 = arith.constant 120 : i32
      %scan3A_42 = arith.addi %scan3A_40, %scan3A_41 : i32
      %scan3A_43 = arith.constant 1 : i32
      scf.for %scan3A_50 = %scan3A_40 to %scan3A_42 step %scan3A_43  : i32 {
        %mul3A_51 = arith.constant 2 : i32
        %mul3A_52 = arith.muli %scan3A_50, %mul3A_51 : i32
        %add3A_53 = arith.constant 0 : i32
        %add3A_54 = arith.addi %mul3A_52, %add3A_53 : i32
        %rem3A_55 = arith.constant 64 : i32
        %rem3A_56 = arith.remsi %add3A_54, %rem3A_55 : i32
        %dma_wait3A = arith.constant 0 : i32
        %dma_wait3A_57 = tpu.memref_slice %arg12[%rem3A_56, %dma_wait3A] : memref<64x125xi32, #tpu.memory_space<vmem>> -> memref<1x125xi32, #tpu.memory_space<vmem>>
        %dma_wait3A_58 = tpu.memref_squeeze %dma_wait3A_57 : memref<1x125xi32, #tpu.memory_space<vmem>> -> memref<125xi32, #tpu.memory_space<vmem>>
        %dma_wait3A_59 = arith.constant 0 : i32
        %dma_wait3A_60 = arith.constant 0 : i32
        %dma_wait3A_61 = tpu.memref_slice %arg2[%dma_wait3A_59, %dma_wait3A_60] : memref<10000x128xf32, #tpu.memory_space<hbm>> -> memref<10000x128xf32, #tpu.memory_space<hbm>>
        tpu.wait_indirect_dma semaphore(%arg16 : memref<!tpu.dma_semaphore, #tpu.memory_space<semaphore_mem>>) src(%dma_wait3A_61 : memref<10000x128xf32, #tpu.memory_space<hbm>>) dst(%arg14 : memref<125x128xf32, #tpu.memory_space<vmem>>)
        "tpu.region"() ({
          %run_scoped3A = tpu.sem_alloc : memref<!tpu.dma_semaphore, #tpu.memory_space<semaphore_mem>>
          %dma_start3A_110 = arith.constant 0 : i32
          %dma_start3A_111 = tpu.memref_slice %arg13[%rem3A_56, %dma_start3A_110] : memref<64x125xi32, #tpu.memory_space<vmem>> -> memref<1x125xi32, #tpu.memory_space<vmem>>
          %dma_start3A_112 = tpu.memref_squeeze %dma_start3A_111 : memref<1x125xi32, #tpu.memory_space<vmem>> -> memref<125xi32, #tpu.memory_space<vmem>>
          %dma_start3A_113 = arith.constant 0 : i32
          %dma_start3A_114 = arith.constant 0 : i32
          %dma_start3A_115 = tpu.memref_slice %arg11[%dma_start3A_113, %dma_start3A_114] : memref<10240x128xf32, #tpu.memory_space<vmem_shared>> -> memref<10240x128xf32, #tpu.memory_space<vmem_shared>>
          tpu.enqueue_indirect_dma source(%arg14 : memref<125x128xf32, #tpu.memory_space<vmem>>) target(%dma_start3A_115 : memref<10240x128xf32, #tpu.memory_space<vmem_shared>>) offsets(%dma_start3A_112 : memref<125xi32, #tpu.memory_space<vmem>>) semaphore(%run_scoped3A : memref<!tpu.dma_semaphore, #tpu.memory_space<semaphore_mem>>) {add = true}
          %dma_wait3A_116 = arith.constant 0 : i32
          %dma_wait3A_117 = tpu.memref_slice %arg13[%rem3A_56, %dma_wait3A_116] : memref<64x125xi32, #tpu.memory_space<vmem>> -> memref<1x125xi32, #tpu.memory_space<vmem>>
          %dma_wait3A_118 = tpu.memref_squeeze %dma_wait3A_117 : memref<1x125xi32, #tpu.memory_space<vmem>> -> memref<125xi32, #tpu.memory_space<vmem>>
          %dma_wait3A_119 = arith.constant 0 : i32
          %dma_wait3A_120 = arith.constant 0 : i32
          %dma_wait3A_121 = tpu.memref_slice %arg11[%dma_wait3A_119, %dma_wait3A_120] : memref<10240x128xf32, #tpu.memory_space<vmem_shared>> -> memref<10240x128xf32, #tpu.memory_space<vmem_shared>>
          tpu.wait_indirect_dma semaphore(%run_scoped3A : memref<!tpu.dma_semaphore, #tpu.memory_space<semaphore_mem>>) src(%arg14 : memref<125x128xf32, #tpu.memory_space<vmem>>) dst(%dma_wait3A_121 : memref<10240x128xf32, #tpu.memory_space<vmem_shared>>)
          tpu.yield
        }) : () -> ()
        %add3A_62 = arith.constant 2 : i32
        %add3A_63 = arith.addi %add3A_54, %add3A_62 : i32
        %rem3A_64 = arith.constant 64 : i32
        %rem3A_65 = arith.remsi %add3A_63, %rem3A_64 : i32
        %rem3A_66 = arith.constant 16 : i32
        %rem3A_67 = arith.remsi %add3A_63, %rem3A_66 : i32
        %eq3A_68 = arith.constant 0 : i32
        %eq3A_69 = arith.cmpi eq, %rem3A_67, %eq3A_68 : i32
        %lt3A = arith.constant 240 : i32
        %lt3A_70 = arith.cmpi slt, %add3A_63, %lt3A : i32
        %and3A = arith.andi %eq3A_69, %lt3A_70 : i1
        %convert_element_type3A_71 = arith.extui %and3A : i1 to i32
        %cond3A_72 = arith.constant 0 : i32
        %cond3A_73 = arith.cmpi ne, %convert_element_type3A_71, %cond3A_72 : i32
        scf.if %cond3A_73 {
          %ge3A = arith.constant 32 : i32
          %ge3A_110 = arith.cmpi sge, %add3A_63, %ge3A : i32
          %convert_element_type3A_111 = arith.extui %ge3A_110 : i1 to i32
          %cond3A_112 = arith.constant 0 : i32
          %cond3A_113 = arith.cmpi ne, %convert_element_type3A_111, %cond3A_112 : i32
          scf.if %cond3A_113 {
            %add3A_121 = arith.addi %add3A_13, %add3A_63 : i32
            %multiple_of3A_122 = tpu.assume_multiple %add3A_121, 8 : i32
            %rem3A_123 = arith.constant 64 : i32
            %rem3A_124 = arith.remsi %add3A_63, %rem3A_123 : i32
            %multiple_of3A_125 = tpu.assume_multiple %rem3A_124, 8 : i32
            %dma_wait3A_126 = arith.constant 0 : i32
            %dma_wait3A_127 = tpu.memref_slice %arg12[%multiple_of3A_125, %dma_wait3A_126] : memref<64x125xi32, #tpu.memory_space<vmem>> -> memref<16x125xi32, #tpu.memory_space<vmem>>
            %dma_wait3A_128 = arith.constant 0 : i32
            %dma_wait3A_129 = tpu.memref_slice %arg5[%multiple_of3A_122, %dma_wait3A_128] : memref<5120x125xi32, #tpu.memory_space<hbm>> -> memref<16x125xi32, #tpu.memory_space<hbm>>
            %dma_wait3A_130 = arith.constant 0 : i32
            %dma_wait3A_131 = tpu.memref_slice %arg12[%multiple_of3A_125, %dma_wait3A_130] : memref<64x125xi32, #tpu.memory_space<vmem>> -> memref<16x125xi32, #tpu.memory_space<vmem>>
            %dma_wait3A_132 = arith.constant 0 : i32
            %dma_wait3A_133 = tpu.memref_slice %arg5[%multiple_of3A_122, %dma_wait3A_132] : memref<5120x125xi32, #tpu.memory_space<hbm>> -> memref<16x125xi32, #tpu.memory_space<hbm>>
            tpu.wait_dma2 semaphore(%arg18 : memref<!tpu.dma_semaphore, #tpu.memory_space<semaphore_mem>>) src(%dma_wait3A_133 : memref<16x125xi32, #tpu.memory_space<hbm>>) dst(%dma_wait3A_131 : memref<16x125xi32, #tpu.memory_space<vmem>>)
            %dma_wait3A_134 = arith.constant 0 : i32
            %dma_wait3A_135 = tpu.memref_slice %arg13[%multiple_of3A_125, %dma_wait3A_134] : memref<64x125xi32, #tpu.memory_space<vmem>> -> memref<16x125xi32, #tpu.memory_space<vmem>>
            %dma_wait3A_136 = arith.constant 0 : i32
            %dma_wait3A_137 = tpu.memref_slice %arg6[%multiple_of3A_122, %dma_wait3A_136] : memref<5120x125xi32, #tpu.memory_space<hbm>> -> memref<16x125xi32, #tpu.memory_space<hbm>>
            %dma_wait3A_138 = arith.constant 0 : i32
            %dma_wait3A_139 = tpu.memref_slice %arg13[%multiple_of3A_125, %dma_wait3A_138] : memref<64x125xi32, #tpu.memory_space<vmem>> -> memref<16x125xi32, #tpu.memory_space<vmem>>
            %dma_wait3A_140 = arith.constant 0 : i32
            %dma_wait3A_141 = tpu.memref_slice %arg6[%multiple_of3A_122, %dma_wait3A_140] : memref<5120x125xi32, #tpu.memory_space<hbm>> -> memref<16x125xi32, #tpu.memory_space<hbm>>
            tpu.wait_dma2 semaphore(%arg18 : memref<!tpu.dma_semaphore, #tpu.memory_space<semaphore_mem>>) src(%dma_wait3A_141 : memref<16x125xi32, #tpu.memory_space<hbm>>) dst(%dma_wait3A_139 : memref<16x125xi32, #tpu.memory_space<vmem>>)
          } else {
          }
          %add3A_114 = arith.constant 16 : i32
          %add3A_115 = arith.addi %add3A_63, %add3A_114 : i32
          %lt3A_116 = arith.constant 240 : i32
          %lt3A_117 = arith.cmpi slt, %add3A_115, %lt3A_116 : i32
          %convert_element_type3A_118 = arith.extui %lt3A_117 : i1 to i32
          %cond3A_119 = arith.constant 0 : i32
          %cond3A_120 = arith.cmpi ne, %convert_element_type3A_118, %cond3A_119 : i32
          scf.if %cond3A_120 {
            %add3A_121 = arith.constant 16 : i32
            %add3A_122 = arith.addi %add3A_63, %add3A_121 : i32
            %add3A_123 = arith.addi %add3A_13, %add3A_122 : i32
            %multiple_of3A_124 = tpu.assume_multiple %add3A_123, 8 : i32
            %rem3A_125 = arith.constant 64 : i32
            %rem3A_126 = arith.remsi %add3A_122, %rem3A_125 : i32
            %multiple_of3A_127 = tpu.assume_multiple %rem3A_126, 8 : i32
            %dma_start3A_128 = arith.constant 0 : i32
            %dma_start3A_129 = tpu.memref_slice %arg12[%multiple_of3A_127, %dma_start3A_128] : memref<64x125xi32, #tpu.memory_space<vmem>> -> memref<16x125xi32, #tpu.memory_space<vmem>>
            %dma_start3A_130 = arith.constant 0 : i32
            %dma_start3A_131 = tpu.memref_slice %arg5[%multiple_of3A_124, %dma_start3A_130] : memref<5120x125xi32, #tpu.memory_space<hbm>> -> memref<16x125xi32, #tpu.memory_space<hbm>>
            %dma_start3A_132 = arith.constant 0 : i32
            %dma_start3A_133 = tpu.memref_slice %arg12[%multiple_of3A_127, %dma_start3A_132] : memref<64x125xi32, #tpu.memory_space<vmem>> -> memref<16x125xi32, #tpu.memory_space<vmem>>
            %dma_start3A_134 = arith.constant 0 : i32
            %dma_start3A_135 = tpu.memref_slice %arg5[%multiple_of3A_124, %dma_start3A_134] : memref<5120x125xi32, #tpu.memory_space<hbm>> -> memref<16x125xi32, #tpu.memory_space<hbm>>
            tpu.enqueue_dma source(%dma_start3A_135 : memref<16x125xi32, #tpu.memory_space<hbm>>) target(%dma_start3A_133 : memref<16x125xi32, #tpu.memory_space<vmem>>) target_semaphore(%arg18 : memref<!tpu.dma_semaphore, #tpu.memory_space<semaphore_mem>>)
            %dma_start3A_136 = arith.constant 0 : i32
            %dma_start3A_137 = tpu.memref_slice %arg13[%multiple_of3A_127, %dma_start3A_136] : memref<64x125xi32, #tpu.memory_space<vmem>> -> memref<16x125xi32, #tpu.memory_space<vmem>>
            %dma_start3A_138 = arith.constant 0 : i32
            %dma_start3A_139 = tpu.memref_slice %arg6[%multiple_of3A_124, %dma_start3A_138] : memref<5120x125xi32, #tpu.memory_space<hbm>> -> memref<16x125xi32, #tpu.memory_space<hbm>>
            %dma_start3A_140 = arith.constant 0 : i32
            %dma_start3A_141 = tpu.memref_slice %arg13[%multiple_of3A_127, %dma_start3A_140] : memref<64x125xi32, #tpu.memory_space<vmem>> -> memref<16x125xi32, #tpu.memory_space<vmem>>
            %dma_start3A_142 = arith.constant 0 : i32
            %dma_start3A_143 = tpu.memref_slice %arg6[%multiple_of3A_124, %dma_start3A_142] : memref<5120x125xi32, #tpu.memory_space<hbm>> -> memref<16x125xi32, #tpu.memory_space<hbm>>
            tpu.enqueue_dma source(%dma_start3A_143 : memref<16x125xi32, #tpu.memory_space<hbm>>) target(%dma_start3A_141 : memref<16x125xi32, #tpu.memory_space<vmem>>) target_semaphore(%arg18 : memref<!tpu.dma_semaphore, #tpu.memory_space<semaphore_mem>>)
          } else {
          }
        } else {
        }
        %lt3A_74 = arith.constant 240 : i32
        %lt3A_75 = arith.cmpi slt, %add3A_63, %lt3A_74 : i32
        %convert_element_type3A_76 = arith.extui %lt3A_75 : i1 to i32
        %cond3A_77 = arith.constant 0 : i32
        %cond3A_78 = arith.cmpi ne, %convert_element_type3A_76, %cond3A_77 : i32
        scf.if %cond3A_78 {
          %dma_start3A_110 = arith.constant 0 : i32
          %dma_start3A_111 = tpu.memref_slice %arg12[%rem3A_65, %dma_start3A_110] : memref<64x125xi32, #tpu.memory_space<vmem>> -> memref<1x125xi32, #tpu.memory_space<vmem>>
          %dma_start3A_112 = tpu.memref_squeeze %dma_start3A_111 : memref<1x125xi32, #tpu.memory_space<vmem>> -> memref<125xi32, #tpu.memory_space<vmem>>
          %dma_start3A_113 = arith.constant 0 : i32
          %dma_start3A_114 = arith.constant 0 : i32
          %dma_start3A_115 = tpu.memref_slice %arg2[%dma_start3A_113, %dma_start3A_114] : memref<10000x128xf32, #tpu.memory_space<hbm>> -> memref<10000x128xf32, #tpu.memory_space<hbm>>
          tpu.enqueue_indirect_dma source(%dma_start3A_115 : memref<10000x128xf32, #tpu.memory_space<hbm>>) target(%arg14 : memref<125x128xf32, #tpu.memory_space<vmem>>) offsets(%dma_start3A_112 : memref<125xi32, #tpu.memory_space<vmem>>) semaphore(%arg16 : memref<!tpu.dma_semaphore, #tpu.memory_space<semaphore_mem>>)
        } else {
        }
        %mul3A_79 = arith.constant 2 : i32
        %mul3A_80 = arith.muli %scan3A_50, %mul3A_79 : i32
        %add3A_81 = arith.constant 1 : i32
        %add3A_82 = arith.addi %mul3A_80, %add3A_81 : i32
        %rem3A_83 = arith.constant 64 : i32
        %rem3A_84 = arith.remsi %add3A_82, %rem3A_83 : i32
        %dma_wait3A_85 = arith.constant 0 : i32
        %dma_wait3A_86 = tpu.memref_slice %arg12[%rem3A_84, %dma_wait3A_85] : memref<64x125xi32, #tpu.memory_space<vmem>> -> memref<1x125xi32, #tpu.memory_space<vmem>>
        %dma_wait3A_87 = tpu.memref_squeeze %dma_wait3A_86 : memref<1x125xi32, #tpu.memory_space<vmem>> -> memref<125xi32, #tpu.memory_space<vmem>>
        %dma_wait3A_88 = arith.constant 0 : i32
        %dma_wait3A_89 = arith.constant 0 : i32
        %dma_wait3A_90 = tpu.memref_slice %arg2[%dma_wait3A_88, %dma_wait3A_89] : memref<10000x128xf32, #tpu.memory_space<hbm>> -> memref<10000x128xf32, #tpu.memory_space<hbm>>
        tpu.wait_indirect_dma semaphore(%arg17 : memref<!tpu.dma_semaphore, #tpu.memory_space<semaphore_mem>>) src(%dma_wait3A_90 : memref<10000x128xf32, #tpu.memory_space<hbm>>) dst(%arg15 : memref<125x128xf32, #tpu.memory_space<vmem>>)
        "tpu.region"() ({
          %run_scoped3A = tpu.sem_alloc : memref<!tpu.dma_semaphore, #tpu.memory_space<semaphore_mem>>
          %dma_start3A_110 = arith.constant 0 : i32
          %dma_start3A_111 = tpu.memref_slice %arg13[%rem3A_84, %dma_start3A_110] : memref<64x125xi32, #tpu.memory_space<vmem>> -> memref<1x125xi32, #tpu.memory_space<vmem>>
          %dma_start3A_112 = tpu.memref_squeeze %dma_start3A_111 : memref<1x125xi32, #tpu.memory_space<vmem>> -> memref<125xi32, #tpu.memory_space<vmem>>
          %dma_start3A_113 = arith.constant 0 : i32
          %dma_start3A_114 = arith.constant 0 : i32
          %dma_start3A_115 = tpu.memref_slice %arg11[%dma_start3A_113, %dma_start3A_114] : memref<10240x128xf32, #tpu.memory_space<vmem_shared>> -> memref<10240x128xf32, #tpu.memory_space<vmem_shared>>
          tpu.enqueue_indirect_dma source(%arg15 : memref<125x128xf32, #tpu.memory_space<vmem>>) target(%dma_start3A_115 : memref<10240x128xf32, #tpu.memory_space<vmem_shared>>) offsets(%dma_start3A_112 : memref<125xi32, #tpu.memory_space<vmem>>) semaphore(%run_scoped3A : memref<!tpu.dma_semaphore, #tpu.memory_space<semaphore_mem>>) {add = true}
          %dma_wait3A_116 = arith.constant 0 : i32
          %dma_wait3A_117 = tpu.memref_slice %arg13[%rem3A_84, %dma_wait3A_116] : memref<64x125xi32, #tpu.memory_space<vmem>> -> memref<1x125xi32, #tpu.memory_space<vmem>>
          %dma_wait3A_118 = tpu.memref_squeeze %dma_wait3A_117 : memref<1x125xi32, #tpu.memory_space<vmem>> -> memref<125xi32, #tpu.memory_space<vmem>>
          %dma_wait3A_119 = arith.constant 0 : i32
          %dma_wait3A_120 = arith.constant 0 : i32
          %dma_wait3A_121 = tpu.memref_slice %arg11[%dma_wait3A_119, %dma_wait3A_120] : memref<10240x128xf32, #tpu.memory_space<vmem_shared>> -> memref<10240x128xf32, #tpu.memory_space<vmem_shared>>
          tpu.wait_indirect_dma semaphore(%run_scoped3A : memref<!tpu.dma_semaphore, #tpu.memory_space<semaphore_mem>>) src(%arg15 : memref<125x128xf32, #tpu.memory_space<vmem>>) dst(%dma_wait3A_121 : memref<10240x128xf32, #tpu.memory_space<vmem_shared>>)
          tpu.yield
        }) : () -> ()
        %add3A_91 = arith.constant 2 : i32
        %add3A_92 = arith.addi %add3A_82, %add3A_91 : i32
        %rem3A_93 = arith.constant 64 : i32
        %rem3A_94 = arith.remsi %add3A_92, %rem3A_93 : i32
        %rem3A_95 = arith.constant 16 : i32
        %rem3A_96 = arith.remsi %add3A_92, %rem3A_95 : i32
        %eq3A_97 = arith.constant 0 : i32
        %eq3A_98 = arith.cmpi eq, %rem3A_96, %eq3A_97 : i32
        %lt3A_99 = arith.constant 240 : i32
        %lt3A_100 = arith.cmpi slt, %add3A_92, %lt3A_99 : i32
        %and3A_101 = arith.andi %eq3A_98, %lt3A_100 : i1
        %convert_element_type3A_102 = arith.extui %and3A_101 : i1 to i32
        %cond3A_103 = arith.constant 0 : i32
        %cond3A_104 = arith.cmpi ne, %convert_element_type3A_102, %cond3A_103 : i32
        scf.if %cond3A_104 {
          %ge3A = arith.constant 32 : i32
          %ge3A_110 = arith.cmpi sge, %add3A_92, %ge3A : i32
          %convert_element_type3A_111 = arith.extui %ge3A_110 : i1 to i32
          %cond3A_112 = arith.constant 0 : i32
          %cond3A_113 = arith.cmpi ne, %convert_element_type3A_111, %cond3A_112 : i32
          scf.if %cond3A_113 {
            %add3A_121 = arith.addi %add3A_13, %add3A_92 : i32
            %multiple_of3A_122 = tpu.assume_multiple %add3A_121, 8 : i32
            %rem3A_123 = arith.constant 64 : i32
            %rem3A_124 = arith.remsi %add3A_92, %rem3A_123 : i32
            %multiple_of3A_125 = tpu.assume_multiple %rem3A_124, 8 : i32
            %dma_wait3A_126 = arith.constant 0 : i32
            %dma_wait3A_127 = tpu.memref_slice %arg12[%multiple_of3A_125, %dma_wait3A_126] : memref<64x125xi32, #tpu.memory_space<vmem>> -> memref<16x125xi32, #tpu.memory_space<vmem>>
            %dma_wait3A_128 = arith.constant 0 : i32
            %dma_wait3A_129 = tpu.memref_slice %arg5[%multiple_of3A_122, %dma_wait3A_128] : memref<5120x125xi32, #tpu.memory_space<hbm>> -> memref<16x125xi32, #tpu.memory_space<hbm>>
            %dma_wait3A_130 = arith.constant 0 : i32
            %dma_wait3A_131 = tpu.memref_slice %arg12[%multiple_of3A_125, %dma_wait3A_130] : memref<64x125xi32, #tpu.memory_space<vmem>> -> memref<16x125xi32, #tpu.memory_space<vmem>>
            %dma_wait3A_132 = arith.constant 0 : i32
            %dma_wait3A_133 = tpu.memref_slice %arg5[%multiple_of3A_122, %dma_wait3A_132] : memref<5120x125xi32, #tpu.memory_space<hbm>> -> memref<16x125xi32, #tpu.memory_space<hbm>>
            tpu.wait_dma2 semaphore(%arg18 : memref<!tpu.dma_semaphore, #tpu.memory_space<semaphore_mem>>) src(%dma_wait3A_133 : memref<16x125xi32, #tpu.memory_space<hbm>>) dst(%dma_wait3A_131 : memref<16x125xi32, #tpu.memory_space<vmem>>)
            %dma_wait3A_134 = arith.constant 0 : i32
            %dma_wait3A_135 = tpu.memref_slice %arg13[%multiple_of3A_125, %dma_wait3A_134] : memref<64x125xi32, #tpu.memory_space<vmem>> -> memref<16x125xi32, #tpu.memory_space<vmem>>
            %dma_wait3A_136 = arith.constant 0 : i32
            %dma_wait3A_137 = tpu.memref_slice %arg6[%multiple_of3A_122, %dma_wait3A_136] : memref<5120x125xi32, #tpu.memory_space<hbm>> -> memref<16x125xi32, #tpu.memory_space<hbm>>
            %dma_wait3A_138 = arith.constant 0 : i32
            %dma_wait3A_139 = tpu.memref_slice %arg13[%multiple_of3A_125, %dma_wait3A_138] : memref<64x125xi32, #tpu.memory_space<vmem>> -> memref<16x125xi32, #tpu.memory_space<vmem>>
            %dma_wait3A_140 = arith.constant 0 : i32
            %dma_wait3A_141 = tpu.memref_slice %arg6[%multiple_of3A_122, %dma_wait3A_140] : memref<5120x125xi32, #tpu.memory_space<hbm>> -> memref<16x125xi32, #tpu.memory_space<hbm>>
            tpu.wait_dma2 semaphore(%arg18 : memref<!tpu.dma_semaphore, #tpu.memory_space<semaphore_mem>>) src(%dma_wait3A_141 : memref<16x125xi32, #tpu.memory_space<hbm>>) dst(%dma_wait3A_139 : memref<16x125xi32, #tpu.memory_space<vmem>>)
          } else {
          }
          %add3A_114 = arith.constant 16 : i32
          %add3A_115 = arith.addi %add3A_92, %add3A_114 : i32
          %lt3A_116 = arith.constant 240 : i32
          %lt3A_117 = arith.cmpi slt, %add3A_115, %lt3A_116 : i32
          %convert_element_type3A_118 = arith.extui %lt3A_117 : i1 to i32
          %cond3A_119 = arith.constant 0 : i32
          %cond3A_120 = arith.cmpi ne, %convert_element_type3A_118, %cond3A_119 : i32
          scf.if %cond3A_120 {
            %add3A_121 = arith.constant 16 : i32
            %add3A_122 = arith.addi %add3A_92, %add3A_121 : i32
            %add3A_123 = arith.addi %add3A_13, %add3A_122 : i32
            %multiple_of3A_124 = tpu.assume_multiple %add3A_123, 8 : i32
            %rem3A_125 = arith.constant 64 : i32
            %rem3A_126 = arith.remsi %add3A_122, %rem3A_125 : i32
            %multiple_of3A_127 = tpu.assume_multiple %rem3A_126, 8 : i32
            %dma_start3A_128 = arith.constant 0 : i32
            %dma_start3A_129 = tpu.memref_slice %arg12[%multiple_of3A_127, %dma_start3A_128] : memref<64x125xi32, #tpu.memory_space<vmem>> -> memref<16x125xi32, #tpu.memory_space<vmem>>
            %dma_start3A_130 = arith.constant 0 : i32
            %dma_start3A_131 = tpu.memref_slice %arg5[%multiple_of3A_124, %dma_start3A_130] : memref<5120x125xi32, #tpu.memory_space<hbm>> -> memref<16x125xi32, #tpu.memory_space<hbm>>
            %dma_start3A_132 = arith.constant 0 : i32
            %dma_start3A_133 = tpu.memref_slice %arg12[%multiple_of3A_127, %dma_start3A_132] : memref<64x125xi32, #tpu.memory_space<vmem>> -> memref<16x125xi32, #tpu.memory_space<vmem>>
            %dma_start3A_134 = arith.constant 0 : i32
            %dma_start3A_135 = tpu.memref_slice %arg5[%multiple_of3A_124, %dma_start3A_134] : memref<5120x125xi32, #tpu.memory_space<hbm>> -> memref<16x125xi32, #tpu.memory_space<hbm>>
            tpu.enqueue_dma source(%dma_start3A_135 : memref<16x125xi32, #tpu.memory_space<hbm>>) target(%dma_start3A_133 : memref<16x125xi32, #tpu.memory_space<vmem>>) target_semaphore(%arg18 : memref<!tpu.dma_semaphore, #tpu.memory_space<semaphore_mem>>)
            %dma_start3A_136 = arith.constant 0 : i32
            %dma_start3A_137 = tpu.memref_slice %arg13[%multiple_of3A_127, %dma_start3A_136] : memref<64x125xi32, #tpu.memory_space<vmem>> -> memref<16x125xi32, #tpu.memory_space<vmem>>
            %dma_start3A_138 = arith.constant 0 : i32
            %dma_start3A_139 = tpu.memref_slice %arg6[%multiple_of3A_124, %dma_start3A_138] : memref<5120x125xi32, #tpu.memory_space<hbm>> -> memref<16x125xi32, #tpu.memory_space<hbm>>
            %dma_start3A_140 = arith.constant 0 : i32
            %dma_start3A_141 = tpu.memref_slice %arg13[%multiple_of3A_127, %dma_start3A_140] : memref<64x125xi32, #tpu.memory_space<vmem>> -> memref<16x125xi32, #tpu.memory_space<vmem>>
            %dma_start3A_142 = arith.constant 0 : i32
            %dma_start3A_143 = tpu.memref_slice %arg6[%multiple_of3A_124, %dma_start3A_142] : memref<5120x125xi32, #tpu.memory_space<hbm>> -> memref<16x125xi32, #tpu.memory_space<hbm>>
            tpu.enqueue_dma source(%dma_start3A_143 : memref<16x125xi32, #tpu.memory_space<hbm>>) target(%dma_start3A_141 : memref<16x125xi32, #tpu.memory_space<vmem>>) target_semaphore(%arg18 : memref<!tpu.dma_semaphore, #tpu.memory_space<semaphore_mem>>)
          } else {
          }
        } else {
        }
        %lt3A_105 = arith.constant 240 : i32
        %lt3A_106 = arith.cmpi slt, %add3A_92, %lt3A_105 : i32
        %convert_element_type3A_107 = arith.extui %lt3A_106 : i1 to i32
        %cond3A_108 = arith.constant 0 : i32
        %cond3A_109 = arith.cmpi ne, %convert_element_type3A_107, %cond3A_108 : i32
        scf.if %cond3A_109 {
          %dma_start3A_110 = arith.constant 0 : i32
          %dma_start3A_111 = tpu.memref_slice %arg12[%rem3A_94, %dma_start3A_110] : memref<64x125xi32, #tpu.memory_space<vmem>> -> memref<1x125xi32, #tpu.memory_space<vmem>>
          %dma_start3A_112 = tpu.memref_squeeze %dma_start3A_111 : memref<1x125xi32, #tpu.memory_space<vmem>> -> memref<125xi32, #tpu.memory_space<vmem>>
          %dma_start3A_113 = arith.constant 0 : i32
          %dma_start3A_114 = arith.constant 0 : i32
          %dma_start3A_115 = tpu.memref_slice %arg2[%dma_start3A_113, %dma_start3A_114] : memref<10000x128xf32, #tpu.memory_space<hbm>> -> memref<10000x128xf32, #tpu.memory_space<hbm>>
          tpu.enqueue_indirect_dma source(%dma_start3A_115 : memref<10000x128xf32, #tpu.memory_space<hbm>>) target(%arg15 : memref<125x128xf32, #tpu.memory_space<vmem>>) offsets(%dma_start3A_112 : memref<125xi32, #tpu.memory_space<vmem>>) semaphore(%arg17 : memref<!tpu.dma_semaphore, #tpu.memory_space<semaphore_mem>>)
        } else {
        }
      }
      %scan3A_44 = arith.constant 120 : i32
      %barrier3A_45 = arith.constant 0 : index
      tpu.barrier barrier_id(%barrier3A_45)
      %mul3A_46 = arith.constant 640 : i32
      %mul3A_47 = arith.muli %arg1, %mul3A_46 : i32
      %mul3A_48 = arith.constant 640 : i32
      %mul3A_49 = arith.muli %arg1, %mul3A_48 : i32
      "tpu.region"() ({
        %run_scoped3A = tpu.sem_alloc : memref<!tpu.dma_semaphore, #tpu.memory_space<semaphore_mem>>
        %dma_start3A_50 = arith.constant 0 : i32
        %dma_start3A_51 = tpu.memref_slice %arg10[%mul3A_49, %dma_start3A_50] : memref<10240x128xf32, #tpu.memory_space<hbm>> -> memref<640x128xf32, #tpu.memory_space<hbm>>
        %dma_start3A_52 = arith.constant 0 : i32
        %dma_start3A_53 = tpu.memref_slice %arg11[%mul3A_47, %dma_start3A_52] : memref<10240x128xf32, #tpu.memory_space<vmem_shared>> -> memref<640x128xf32, #tpu.memory_space<vmem_shared>>
        tpu.enqueue_dma source(%dma_start3A_53 : memref<640x128xf32, #tpu.memory_space<vmem_shared>>) target(%dma_start3A_51 : memref<640x128xf32, #tpu.memory_space<hbm>>) target_semaphore(%run_scoped3A : memref<!tpu.dma_semaphore, #tpu.memory_space<semaphore_mem>>)
        %dma_wait3A = arith.constant 0 : i32
        %dma_wait3A_54 = tpu.memref_slice %arg10[%mul3A_49, %dma_wait3A] : memref<10240x128xf32, #tpu.memory_space<hbm>> -> memref<640x128xf32, #tpu.memory_space<hbm>>
        %dma_wait3A_55 = arith.constant 0 : i32
        %dma_wait3A_56 = tpu.memref_slice %arg11[%mul3A_47, %dma_wait3A_55] : memref<10240x128xf32, #tpu.memory_space<vmem_shared>> -> memref<640x128xf32, #tpu.memory_space<vmem_shared>>
        tpu.wait_dma2 semaphore(%run_scoped3A : memref<!tpu.dma_semaphore, #tpu.memory_space<semaphore_mem>>) src(%dma_wait3A_56 : memref<640x128xf32, #tpu.memory_space<vmem_shared>>) dst(%dma_wait3A_54 : memref<640x128xf32, #tpu.memory_space<hbm>>)
        tpu.yield
      }) : () -> ()
    } else {
    }
    return
  }
}

module attributes {stable_mosaic.version = 14 : i64} {
  func.func @_merge_body(%arg0: i32, %arg1: memref<1000x128xf32, #tpu.memory_space<vmem>>, %arg2: memref<1000x128xf32, #tpu.memory_space<vmem>>, %arg3: memref<1000x128xf32, #tpu.memory_space<vmem>>, %arg4: memref<1000x256xf32, #tpu.memory_space<vmem>>) attributes {dimension_semantics = [#tpu.dimension_semantics<arbitrary>], iteration_bounds = array<i64: 10>, scalar_prefetch = 0 : i64, scratch_operands = 0 : i64, tpu.core_type = #tpu.core_type<tc>, window_params = [{transform_indices = @transform_0, window_bounds = array<i64: 1000, 128>}, {transform_indices = @transform_1, window_bounds = array<i64: 1000, 128>}, {transform_indices = @transform_2, window_bounds = array<i64: 1000, 128>}, {transform_indices = @transform_3, window_bounds = array<i64: 1000, 256>}]} {
    %get3A = arith.constant 0 : index
    %get3A_0 = arith.constant 0 : index
    %get3A_1 = vector.load %arg1[%get3A, %get3A_0] : memref<1000x128xf32, #tpu.memory_space<vmem>>, vector<1000x128xf32>
    %swap3A = arith.constant 0 : index
    %swap3A_2 = arith.constant 0 : index
    %swap3A_3 = vector.load %arg4[%swap3A, %swap3A_2] : memref<1000x256xf32, #tpu.memory_space<vmem>>, vector<1000x128xf32>
    tpu.vector_store %arg4[%swap3A, %swap3A_2], %get3A_1 {strides = array<i32>} : memref<1000x256xf32, #tpu.memory_space<vmem>>, vector<1000x128xf32>,
    %get3A_4 = arith.constant 0 : index
    %get3A_5 = arith.constant 0 : index
    %get3A_6 = vector.load %arg2[%get3A_4, %get3A_5] : memref<1000x128xf32, #tpu.memory_space<vmem>>, vector<1000x128xf32>
    %get3A_7 = arith.constant 0 : index
    %get3A_8 = arith.constant 0 : index
    %get3A_9 = vector.load %arg3[%get3A_7, %get3A_8] : memref<1000x128xf32, #tpu.memory_space<vmem>>, vector<1000x128xf32>
    %add3A = arith.addf %get3A_6, %get3A_9 : vector<1000x128xf32>
    %swap3A_10 = arith.constant 0 : index
    %swap3A_11 = arith.constant 128 : index
    %swap3A_12 = vector.load %arg4[%swap3A_10, %swap3A_11] : memref<1000x256xf32, #tpu.memory_space<vmem>>, vector<1000x128xf32>
    tpu.vector_store %arg4[%swap3A_10, %swap3A_11], %add3A {strides = array<i32>} : memref<1000x256xf32, #tpu.memory_space<vmem>>, vector<1000x128xf32>,
    return
  }
  func.func @transform_0(%arg0: i32) -> (i32, i32) {
    %c0_i32 = arith.constant 0 : i32
    %c0_i32_0 = arith.constant 0 : i32
    return %arg0, %c0_i32 : i32, i32
  }
  func.func @transform_1(%arg0: i32) -> (i32, i32) {
    %c0_i32 = arith.constant 0 : i32
    %c0_i32_0 = arith.constant 0 : i32
    return %arg0, %c0_i32 : i32, i32
  }
  func.func @transform_2(%arg0: i32) -> (i32, i32) {
    %c0_i32 = arith.constant 0 : i32
    %c0_i32_0 = arith.constant 0 : i32
    return %arg0, %c0_i32 : i32, i32
  }
  func.func @transform_3(%arg0: i32) -> (i32, i32) {
    %c0_i32 = arith.constant 0 : i32
    %c0_i32_0 = arith.constant 0 : i32
    return %arg0, %c0_i32 : i32, i32
  }
}

</mosaic_0001>

<sc_bundles>
// kernel: _h2gcn.4.cloned.1.call-start
scs
__scs_entry_jumppad:
0x0: {  	(pc) =	sbr.rel $0x88, $3  }
0x1: {  	(tag) =	ssettag $0x0;
	lr =	simm.s32 $0x1  }
0x2: {  	[smem:$0x3F9C] =	sst lr;
	_ =	strace $0xD0000000  }
0x3: {  	_ = 	snop  }
0x4: {  	_ = 	snop  }
0x5: {  	_ = 	snop  }
0x6: {  	_ = 	snop  }
0x7: {  	_ = 	snop  }
__scs_overlays_trampoline_lowered:
0x8: {  	[smem:$0x3FAB] =	sst s0  }
0x9: {  	[smem:$0x3FAC] =	sst s1  }
0xa: {  	[smem:$0x3FAD] =	sst s2  }
0xb: {  	[smem:$0x3FAE] =	sst s3  }
0xc: {  	[smem:$0x3FAF] =	sst s4  }
0xd: {  	[smem:$0x3FB0] =	sst s5  }
0xe: {  	[smem:$0x3FB1] =	sst s6  }
0xf: {  	[smem:$0x3FB2] =	sst s7  }
0x10: {  	[smem:$0x3FB3] =	sst s8  }
0x11: {  	[smem:$0x3FB4] =	sst s9;
	s0 =	simm.s32 @!p0 $0x0  }
0x12: {  	s1 =	sld [smem:$0x3F9A];
	s0 =	simm.s32 @p0 $0x1  }
0x13: {  	[smem:$0x3FB5] =	sst s0;
	s0 =	simm.s32 @!p1 $0x0  }
0x14: {  	s2 =	sld [smem:$0x3F99];
	s0 =	simm.s32 @p1 $0x1  }
0x15: {  	[smem:$0x3FB6] =	sst s0;
	s0 =	simm.s32 @!p2 $0x0  }
0x16: {  	s3 =	sld [smem:$0x3FDB];
	s0 =	simm.s32 @p2 $0x1  }
0x17: {  	s4 =	simm.s32 $0x1BF5;
	[smem:$0x3FB8] =	sst s0  }
0x18: {  	s0 =	sld [smem:$0x3F9B];
	_ =	swait.ge [sflag:s4], $0x0  }
0x19: {  	s7 =	sld [smem:$0x3F9C]  }
0x1a: {  	s8 =	sadd.s32 $0xFFFFE003, lr  }
0x1b: {  	s9 =	sadd.s32 $0xFFFFFEF7, lr;
	s5 =	simm.s32 $0xFFFFFFFF;
	p2 =	slt.u32 s8, $0xFFFFF086  }
0x1c: {  	p1 =	slt.u32 s9, $0xF7A;
	s5 =	simm.s32 @!p2 $0x0  }
0x1d: {  	s5 =	simm.s32 @p1 $0x1;
	p0 =	seq.s32 s7, s2  }
0x1e: {  	s7 =	smul.u32 @!p0 $0xF7A, s2;
	p2 =	seq.s32 @!p0 s5, $0x0  }
0x1f: {  	s9 =	smul.u32 $0xF7A, s1;
	s8 =	simm.s32 @!p0 $0x1BF5;
	p2 =	por !p2, p0  }
0x20: {  	[sflag:s8] =	ssyncset.s32 @!p0 $0xFFFFF086;
	s6 =	sadd.s32 @!p0 s3, s7;
	s7 =	simm.s32 @!p0 $0x108  }
0x21: {  	s3 =	sadd.s32 s3, s9;
	s6 =	sadd.s32 @!p0 $0x88, s6;
	s7 =	simm.s32 @p2 $0x1082  }
0x22: {  	[simem:s7], [sflag:s8] =	dma.local @!p0 [hbm:s6], $0xF7A  }
0x23: {  	s9 =	sor.u32 $0xD0000000, s2;
	s6 =	simm.s32 $0x108;
	_ =	swait.ge @!p0 [sflag:s8], $0x0  }
0x24: {  	s3 =	sadd.s32 $0x88, s3;
	s6 =	simm.s32 @!p1 $0x1082;
	[sflag:s4] =	ssyncset.s32 $0xFFFFF086  }
0x25: {  	[simem:s6], [sflag:s4] =	dma.local [hbm:s3], $0xF7A  }
0x26: {  	[smem:$0x3F9C] =	sst s1;
	(tag) =	ssettag s2;
	_ =	strace s9  }
0x27: {  	s1 =	sld [smem:$0x3FAC]  }
0x28: {  	s2 =	sld [smem:$0x3FAD]  }
0x29: {  	s4 =	sld [smem:$0x3FAF]  }
0x2a: {  	p0 =	seq.s32 s5, $0x0;
	s5 =	sld [smem:$0x3FB0]  }
0x2b: {  	s6 =	sld [smem:$0x3FB1]  }
0x2c: {  	s7 =	sld [smem:$0x3FB2]  }
0x2d: {  	s3 =	simm.s32 $0x108;
	s8 =	sld [smem:$0x3FB3]  }
0x2e: {  	s3 =	simm.s32 @!p0 $0x1082;
	s9 =	sld [smem:$0x3FB4]  }
0x2f: {  	lr =	sadd.s32 s0, s3;
	s0 =	sld [smem:$0x3FAB]  }
0x30: {  	s3 =	sld [smem:$0x3FAE]  }
0x31: {  	[smem:$0x3FB7] =	sst s10  }
0x32: {  	s10 =	sld [smem:$0x3FB5];
	_ =	sdelay $0x3  }
0x33: {  	p0 =	seq.s32 s10, $0x1;
	s10 =	sld [smem:$0x3FB7];
	_ =	sdelay $0x3  }
0x34: {  	[smem:$0x3FB7] =	sst s10  }
0x35: {  	s10 =	sld [smem:$0x3FB6];
	_ =	sdelay $0x3  }
0x36: {  	p1 =	seq.s32 s10, $0x1;
	s10 =	sld [smem:$0x3FB7];
	_ =	sdelay $0x3  }
0x37: {  	[smem:$0x3FB7] =	sst s10  }
0x38: {  	s10 =	sld [smem:$0x3FB8]  }
0x39: {  	_ = 	snop;
	(pc) =	sbr.ind lr, $3  }
0x3a: {  	_ = 	snop  }
0x3b: {  	_ = 	snop  }
0x3c: {  	p2 =	seq.s32 s10, $0x1;
	s10 =	sld [smem:$0x3FB7]  }
0x3d: {  	_ =	shalt  }
0x3e: {  	_ =	shalt  }
0x3f: {  	_ =	shalt  }
0x40: {  	_ =	shalt  }
0x41: {  	_ =	shalt  }
0x42: {  	_ =	shalt  }
0x43: {  	_ =	shalt  }
0x44: {  	_ =	shalt  }
0x45: {  	_ =	shalt  }
0x46: {  	_ =	shalt  }
0x47: {  	_ =	shalt  }
0x48: {  	_ =	shalt  }
0x49: {  	_ =	shalt  }
0x4a: {  	_ =	shalt  }
0x4b: {  	_ =	shalt  }
0x4c: {  	_ =	shalt  }
0x4d: {  	_ =	shalt  }
0x4e: {  	_ =	shalt  }
0x4f: {  	_ =	shalt  }
0x50: {  	_ =	shalt  }
0x51: {  	_ =	shalt  }
0x52: {  	_ =	shalt  }
0x53: {  	_ =	shalt  }
0x54: {  	_ =	shalt  }
0x55: {  	_ =	shalt  }
0x56: {  	_ =	shalt  }
0x57: {  	_ =	shalt  }
0x58: {  	_ =	shalt  }
0x59: {  	_ =	shalt  }
0x5a: {  	_ =	shalt  }
0x5b: {  	_ =	shalt  }
0x5c: {  	_ =	shalt  }
0x5d: {  	_ =	shalt  }
0x5e: {  	_ =	shalt  }
0x5f: {  	_ =	shalt  }
0x60: {  	_ =	shalt  }
0x61: {  	_ =	shalt  }
0x62: {  	_ =	shalt  }
0x63: {  	_ =	shalt  }
0x64: {  	_ =	shalt  }
0x65: {  	_ =	shalt  }
0x66: {  	_ =	shalt  }
0x67: {  	_ =	shalt  }
0x68: {  	_ =	shalt  }
0x69: {  	_ =	shalt  }
0x6a: {  	_ =	shalt  }
0x6b: {  	_ =	shalt  }
0x6c: {  	_ =	shalt  }
0x6d: {  	_ =	shalt  }
0x6e: {  	_ =	shalt  }
0x6f: {  	_ =	shalt  }
0x70: {  	_ =	shalt  }
0x71: {  	_ =	shalt  }
0x72: {  	_ =	shalt  }
0x73: {  	_ =	shalt  }
0x74: {  	_ =	shalt  }
0x75: {  	_ =	shalt  }
0x76: {  	_ =	shalt  }
0x77: {  	_ =	shalt  }
0x78: {  	_ =	shalt  }
0x79: {  	_ =	shalt  }
0x7a: {  	_ =	shalt  }
0x7b: {  	_ =	shalt  }
0x7c: {  	_ =	shalt  }
0x7d: {  	_ =	shalt  }
0x7e: {  	_ =	shalt  }
0x7f: {  	_ =	shalt  }
0x80: {  	_ =	shalt  }
0x81: {  	_ =	shalt  }
0x82: {  	_ =	shalt  }
0x83: {  	_ =	shalt  }
0x84: {  	_ =	shalt  }
0x85: {  	_ =	shalt  }
0x86: {  	_ =	shalt  }
0x87: {  	_ =	shalt  }
.Lfunc_end0:
.L_simem_size_0:
called_computation_lowered:
.L_overlay_start_0:
0x88: {  	s2 =	sld [smem:$0x3FD9]  }
0x89: {  	s3 =	sld [smem:$0x3FFE];
	_ =	sdelay $0x1  }
0x8a: {  	s1 =	srdreg.scid  }
0x8b: {  	s0 =	sand.u32 $0x1, s1  }
0x8c: {  	s17 =	sshll.u32 s0, $0xA;
	s2 =	sadd.s32 s3, s2  }
0x8d: {  	s2 =	sadd.s32 s2, s17  }
0x8e: {  	[smem:$0x3FC3] =	sst s2  }
0x8f: {  	_ = 	snop  }
0x90: {  	s2 =	sld [smem:$0x3FC9]  }
0x91: {  	s18 =	sld [smem:$0x3FC8]  }
0x92: {  	s4 =	sld [smem:$0x3FC7]  }
0x93: {  	s5 =	sld [smem:$0x3FC6]  }
0x94: {  	s6 =	sld [smem:$0x3FC5]  }
0x95: {  	s7 =	sld [smem:$0x3FD0];
	(tm) =	ssettm $0x1  }
0x96: {  	s8 =	sld [smem:$0x3FFB];
	_ =	sdelay $0x3  }
0x97: {  	_ =	strace s8  }
0x98: {  	s8 =	sld [smem:$0x3FFC];
	_ =	sdelay $0x3  }
0x99: {  	_ =	strace s8  }
0x9a: {  	s8 =	sld [smem:$0x3FFD];
	_ =	sdelay $0x3  }
0x9b: {  	_ =	strace s8  }
0x9c: {  	_ =	strace $0x8FFFFFFF  }
0x9d: {  	s19 =	sld [smem:$0x3FDB];
	_ =	sdelay $0x1  }
0x9e: {  	s9 =	simm.s32 $_scs_section_size  }
0x9f: {  	s10 =	simm.s32 $_size__tile_overlayer_lowered;
	s11 =	simm.s32 $_tile_overlayer_lowered  }
0xa0: {  	s22 =	simm.s32 $0x1BFF;
	s21 =	sshll.u32 s11, $0x1;
	s8 =	sadd.s32 s9, s19  }
0xa1: {  	s12 =	simm.s32 $0x0;
	s20 =	sshll.u32 s10, $0x1;
	s10 =	sadd.s32 s21, s8  }
0xa2: {  	[timem:s12], [sflag:s22] =	dma.local [hbm:s10], s20  }
0xa3: {  	_ =	swait.ge [sflag:s22], s20  }
0xa4: {  	s9 =	ssub.s32 $0x0, s20;
	[sflag:s22] =	ssyncset.done $0x0  }
0xa5: {  	[sflag:s22] =	ssyncadd.s32 s9;
	_ =	sdelay $0x1  }
0xa6: {  	s23 =	simm.s32 $0x1B8B  }
0xa7: {  	_ =	swait.ge [sflag:s23], $0x1  }
0xa8: {  	[sflag:s23] =	ssyncset.done $0x0  }
0xa9: {  	s25 =	simm.s32 $0x1B8E;
	s24 =	sld [smem:$0x3FFE];
	[sflag:s23] =	ssyncadd.s32 $0xFFFFFFFF  }
0xaa: {  	s26 =	simm.s32 $execute0_lowered;
	[smem:$0x3FD2] =	sst s25  }
0xab: {  	s10 =	sshll.u32 s26, $0x1;
	_ =	strace $0x80000046;
	[dreg:$0x1] =	wrdreg $0xFFFFFFFF  }
0xac: {  	s28 =	simm.s32 $_size_execute0_lowered;
	s8 =	sadd.s32 s8, s10;
	[dreg:$0x0] =	wrdreg $0x0  }
0xad: {  	s10 =	sshll.u32 s28, $0x1;
	[dreg:$0x2] =	wrdreg s8  }
0xae: {  	[dreg:$0x3] =	wrdreg s10  }
0xaf: {  	[dreg:$0x4] =	wrdreg $0xC0  }
0xb0: {  	_ =	task [dreg:s12], $0x5FFFF  }
0xb1: {  	[dreg:$0x1] =	wrdreg $0xFFFFFFFF  }
0xb2: {  	[dreg:$0x0] =	wrdreg $0x60  }
0xb3: {  	[dreg:$0x2] =	wrdreg s2  }
0xb4: {  	[dreg:$0x3] =	wrdreg s18  }
0xb5: {  	[dreg:$0x4] =	wrdreg s4  }
0xb6: {  	[dreg:$0x5] =	wrdreg s5  }
0xb7: {  	[dreg:$0x6] =	wrdreg s6  }
0xb8: {  	[dreg:$0x7] =	wrdreg s24  }
0xb9: {  	[dreg:$0x8] =	wrdreg s7  }
0xba: {  	[dreg:$0x9] =	wrdreg $0x0  }
0xbb: {  	[dreg:$0xa] =	wrdreg $0x9  }
0xbc: {  	_ =	task.clear_ibuf [dreg:s12], $0xBFFFF;
	_ =	strace $0x90000046  }
0xbd: {  	s29 =	simm.s32 $0x9;
	_ =	strace $0x80000048  }
0xbe: {  	_ =	swait.ge [sflag:s29], $0x1  }
0xbf: {  	[sflag:s29] =	ssyncadd.s32 $0xFFFFFFFF  }
0xc0: {  	_ =	strace $0x90000048  }
0xc1: {  	_ =	sfence  }
0xc2: {  	s30 =	sld [smem:$0x0];
	_ =	sdelay $0x2  }
0xc3: {  	s31 =	sshll.u32 s1, $0xD;
	s1 =	sshrl.u32 s1, $0x2  }
0xc4: {  	s3 =	sand.u32 $0x4000, s31;
	s1 =	sadd.s32 s1, s30  }
0xc5: {  	s0 =	sor.u32 s3, s0;
	s1 =	sshll.u32 s1, $0x11  }
0xc6: {  	s0 =	sor.u32 s1, s0  }
0xc7: {  	s0 =	sadd.s32 $0x8F2B, s0  }
0xc8: {  	[sflag:s0] =	ssyncadd.remote.s32 $0x1  }
0xc9: {  	_ =	sfence.sel $0xFFFF  }
0xca: {  	[dreg:$0x0] =	wrdreg $0xFFFFFFFF;
	(pc) =	sbr.abs _section_cstart, $3  }
0xcb: {  	[dreg:$0x1] =	wrdreg $0xFFFFFFFF  }
0xcc: {  	_ =	task.clear_ibuf [dreg:s12], $0x2FFFF;
	_ =	strace $0x9FFFFFFF  }
0xcd: {  	(tm) =	ssettm $0x7FFFFFFF  }
tec
execute0_lowered:
.L_overlay_start_1:
0x0: {  	(tag) =	ssettag $0x1  }
0x1: {  	s0 =	rddreg [dreg:$0x0]  }
0x2: {  	s1 =	rddreg [dreg:$0x1]  }
0x3: {  	s2 =	rddreg [dreg:$0x2]  }
0x4: {  	s7 =	rddreg [dreg:$0x3]  }
0x5: {  	s8 =	rddreg [dreg:$0x4]  }
0x6: {  	s9 =	rddreg [dreg:$0x5]  }
0x7: {  	s10 =	rddreg [dreg:$0x6];
	s18 =	stileid.u32  }
0x8: {  	s3 =	rddreg [dreg:$0x7];
	s11 =	smul.u32 $0x2800, s18  }
0x9: {  	s4 =	simm.s32 $0x0;
	s5 =	srdreg.scid;
	s13 =	smul.u32 $0x50000, s18  }
0xa: {  	s28 =	simm.s32 $0x1;
	[smem:$0x7FF] =	sst s4;
	s15 =	smul.u32 $0x500, s18  }
0xb: {  	s12 =	sand.u32 $0x1, s5;
	s5 =	sadd.s32 $0xE00, s9;
	s19 =	smul.u32 $0xA00, s18  }
0xc: {  	s22 =	smul.u32 $0xF00, s18;
	_ =	strace $0x80000047;
	s6 =	ssub.s32 $0x2, s12  }
0xd: {  	s14 =	sshrl.u32 s6, $0x1;
	s25 =	sadd.s32 $0xF000, s15;
	s10 =	sadd.s32 s10, s11  }
0xe: {  	s24 =	sshrl.u32 s13, $0x2;
	s26 =	sadd.s32 s7, s25;
	[dreg:$0xd] =	wrdreg s10  }
0xf: {  	s17 =	sshrl.u32 s11, $0x3;
	s13 =	sadd.s32 s8, s25;
	[dreg:$0x9] =	wrdreg s26  }
0x10: {  	s14 =	ssub.s32 s6, s14;
	s25 =	sadd.s32 s8, s22;
	[dreg:$0xa] =	wrdreg s13  }
0x11: {  	s6 =	sadd.s32 $0xF100, s17;
	s10 =	sadd.s32 s7, s22;
	[dreg:$0x13] =	wrdreg s25  }
0x12: {  	p0 =	seq.s32 s12, $0x1;
	s17 =	sadd.s32 s7, s6;
	[dreg:$0x12] =	wrdreg s10  }
0x13: {  	s21 =	sor.u32 $0x100, s19;
	s12 =	sadd.s32 s8, s6;
	[dreg:$0xb] =	wrdreg s17  }
0x14: {  	s13 =	sadd.s32 s2, s19;
	s2 =	sadd.s32 s2, s21;
	[dreg:$0xc] =	wrdreg s12  }
0x15: {  	s20 =	smul.u32 $0x7800, s18;
	p1 =	seq.s32 s18, $0xF;
	[dreg:$0x11] =	wrdreg s2  }
0x16: {  	s24 =	sadd.s32 s24, s3;
	s25 =	sadd.s32 $0x120, s25;
	[dreg:$0xf] =	wrdreg s13  }
0x17: {  	s16 =	sadd.s32 s11, s9;
	s29 =	sadd.s32 $0x10000, s24;
	[dreg:$0x1f] =	wrdreg s25  }
0x18: {  	s17 =	sadd.s32 s1, s19;
	s1 =	sadd.s32 s1, s21;
	[dreg:$0x1c] =	wrdreg s29  }
0x19: {  	s6 =	sadd.s32 s15, s7;
	s12 =	sadd.s32 $0x4EE00, s9;
	[dreg:$0x10] =	wrdreg s1  }
0x1a: {  	s2 =	sadd.s32 s15, s8;
	s15 =	sadd.s32 $0x29600, s16;
	[dreg:$0x16] =	wrdreg s12  }
0x1b: {  	s23 =	sshrl.u32 s20, $0x3;
	s19 =	sadd.s32 $0x1600, s16;
	[dreg:$0x17] =	wrdreg s15  }
0x1c: {  	s30 =	smax.u32 s14, $0x1;
	s21 =	sadd.s32 $0xF120, s6;
	[dreg:$0x18] =	wrdreg s19  }
0x1d: {  	s31 =	sadd.s32 $0x4000, s24;
	s22 =	sadd.s32 $0x120, s13;
	[dreg:$0x1a] =	wrdreg s21  }
0x1e: {  	s6 =	sadd.s32 $0xC000, s24;
	s25 =	simm.s32 $0x2;
	[dreg:$0x1d] =	wrdreg s22  }
0x1f: {  	s1 =	sadd.s32 $0x100, s23;
	[dreg:$0xe] =	wrdreg s17;
	s23 =	sadd.s32 $0x120, s17  }
0x20: {  	s19 =	simm.s32 $0x7D;
	s21 =	simm.s32 $0x18000;
	s26 =	sadd.s32 s7, s1  }
0x21: {  	s1 =	sadd.s32 s8, s1;
	s8 =	sshll.u32 s18, $0x6;
	[dreg:$0x1e] =	wrdreg s23  }
.Ltmp0:
0x22: {  	s23 =	simm.s32 $0x1C000;
	[dreg:$0x14] =	wrdreg s26;
	(pc) =	sbr.rel .LBB2_1-.Ltmp0, $4  }
0x23: {  	[dreg:$0x15] =	wrdreg s1;
	s20 =	sor.u32 $0x1C04, s8;
	s1 =	sadd.s32 $0xF120, s2  }
0x24: {  	s26 =	sadd.s32 $0x120, s10;
	[dreg:$0x19] =	wrdreg s1;
	s1 =	sadd.s32 $0x12C000, s3  }
0x25: {  	s10 =	simm.s32 $0x4;
	[smem:$0x7FD] =	sst s26;
	s1 =	sshrl.u32 @p1 s1, $0x3  }
0x26: {  	s26 =	simm.s32 $0x0;
	[dreg:$0x1b] =	wrdreg s1;
	s1 =	sadd.s32 $0x8000, s24  }
.LBB2_6:
0x27: {  	_ =	swait.ge [sflag:s28], $0x3E80  }
0x28: {  	[sflag:s28] =	ssyncset.done $0x0  }
0x29: {  	s2 =	simm.s32 $0x16F00;
	[sflag:s28] =	ssyncadd.s32 $0xFFFFC180  }
0x2a: {  	[spmem:s3] =	stream.indirect.scatter.add.f32 [tilespmem:s21], [sflag:$0x4], $0x80, s2, s19, $0xb8;
	v63 =	vld [tilespmem:$0x0]  }
0x2b: {  	_ =	swait.ge [sflag:s10], $0x3E80  }
0x2c: {  	[sflag:s10] =	ssyncset.done $0x0  }
0x2d: {  	[sflag:s10] =	ssyncadd.s32 $0xFFFFC180  }
0x2e: {  	_ =	swait.ge [sflag:s25], $0x3E80  }
0x2f: {  	[sflag:s25] =	ssyncset.done $0x0  }
0x30: {  	s22 =	simm.s32 $0x16F80;
	[sflag:s25] =	ssyncadd.s32 $0xFFFFC180  }
0x31: {  	[spmem:s3] =	stream.indirect.scatter.add.f32 [tilespmem:s23], [sflag:$0x4], $0x80, s22, s19, $0xb8;
	v63 =	vld [tilespmem:$0x0]  }
0x32: {  	_ =	swait.ge [sflag:s10], $0x3E80  }
0x33: {  	[sflag:s10] =	ssyncset.done $0x0  }
0x34: {  	[sflag:s10] =	ssyncadd.s32 $0xFFFFC180  }
0x35: {  	[bflag:$0x0] =	sbarrier.arrive $0xFFFF  }
0x36: {  	s2 =	rddreg [dreg:$0x16]  }
0x37: {  	s7 =	rddreg [dreg:$0x1b]  }
0x38: {  	[hbm:s2], [sflag:s20] =	dma.local @p1 [spmem:s7], $0x1900  }
0x39: {  	s2 =	simm.s32 @p1 $0x4  }
0x3a: {  	_ =	swait.ge @p1 [sflag:s2], $0x1900  }
0x3b: {  	[sflag:s2] =	ssyncset.done @p1 $0x0  }
0x3c: {  	s7 =	rddreg [dreg:$0x17];
	[sflag:s2] =	ssyncadd.s32 @p1 $0xFFFFE700;
	s2 =	sshrl.u32 @!p1 s24, $0x3  }
0x3d: {  	[hbm:s7], [sflag:s20] =	dma.local @!p1 [spmem:s2], $0x2800  }
0x3e: {  	s2 =	simm.s32 @!p1 $0x4  }
0x3f: {  	_ =	swait.ge @!p1 [sflag:s2], $0x2800  }
0x40: {  	[sflag:s2] =	ssyncset.done @!p1 $0x0  }
0x41: {  	[sflag:s2] =	ssyncadd.s32 @!p1 $0xFFFFD800  }
.LBB2_10:
0x42: {  	s26 =	sadd.s32 $0x1, s26  }
0x43: {  	p2 =	sne.s32 s26, s30  }
.Ltmp1:
0x44: {  	_ = 	snop;
	(pc) =	sbr.rel @!p2 .LBB2_11-.Ltmp1, $1  }
0x45: {  	_ =	sdelay $0x3  }
.LBB2_1:
0x46: {  	s12 =	sshrl.u32 s24, $0x3  }
0x47: {  	[spmem:s12], [sflag:s20] =	dma.local [hbm:s5], $0x800  }
0x48: {  	_ =	swait.ge [sflag:s10], $0x800  }
0x49: {  	[sflag:s10] =	ssyncset.done $0x0  }
0x4a: {  	s13 =	sshrl.u32 s31, $0x3;
	[sflag:s10] =	ssyncadd.s32 $0xFFFFF800  }
0x4b: {  	[spmem:s13], [sflag:s20] =	dma.local [hbm:s5], $0x800  }
0x4c: {  	_ =	swait.ge [sflag:s10], $0x800  }
0x4d: {  	[sflag:s10] =	ssyncset.done $0x0  }
0x4e: {  	s16 =	sshrl.u32 s1, $0x3;
	[sflag:s10] =	ssyncadd.s32 $0xFFFFF800  }
0x4f: {  	[spmem:s16], [sflag:s20] =	dma.local [hbm:s5], $0x800  }
0x50: {  	_ =	swait.ge [sflag:s10], $0x800  }
0x51: {  	[sflag:s10] =	ssyncset.done $0x0  }
0x52: {  	s2 =	sshrl.u32 s6, $0x3;
	[sflag:s10] =	ssyncadd.s32 $0xFFFFF800  }
0x53: {  	[spmem:s2], [sflag:s20] =	dma.local [hbm:s5], $0x800  }
0x54: {  	_ =	swait.ge [sflag:s10], $0x800  }
0x55: {  	[sflag:s10] =	ssyncset.done $0x0  }
0x56: {  	s17 =	sshrl.u32 s29, $0x3;
	[sflag:s10] =	ssyncadd.s32 $0xFFFFF800  }
0x57: {  	[spmem:s17], [sflag:s20] =	dma.local [hbm:s5], $0x800  }
.Ltmp2:
0x58: {  	_ =	swait.ge [sflag:s10], $0x800;
	(pc) =	sbr.rel @!p0 .LBB2_2-.Ltmp2, $3  }
0x59: {  	[sflag:s10] =	ssyncset.done $0x0  }
0x5a: {  	[sflag:s10] =	ssyncadd.s32 $0xFFFFF800  }
0x5b: {  	[bflag:$0x0] =	sbarrier.arrive $0xFFFF;
	_ =	sdelay $0x1  }
0x5c: {  	s2 =	simm.s32 $0x0;
	s7 =	rddreg [dreg:$0x12];
	s8 =	simm.s32 $0x14000  }
0x5d: {  	[tilespmem:s8], [sflag:$0x4] =	stream.linear.gather [hbm4b:s7+s2], $0x800, $0x38;
	v63 =	vld [tilespmem:$0x0]  }
0x5e: {  	_ =	swait.ge [sflag:s10], $0x800  }
0x5f: {  	[sflag:s10] =	ssyncset.done $0x0  }
0x60: {  	s9 =	simm.s32 $0x16000;
	s14 =	rddreg [dreg:$0x13];
	[sflag:s10] =	ssyncadd.s32 $0xFFFFF800  }
0x61: {  	[tilespmem:s9], [sflag:$0x4] =	stream.linear.gather [hbm4b:s14+s2], $0x800, $0x38;
	v63 =	vld [tilespmem:$0x0]  }
0x62: {  	_ =	swait.ge [sflag:s10], $0x800  }
0x63: {  	[sflag:s10] =	ssyncset.done $0x0  }
0x64: {  	s16 =	simm.s32 $0x14800;
	s15 =	rddreg [dreg:$0x14];
	[sflag:s10] =	ssyncadd.s32 $0xFFFFF800  }
0x65: {  	[tilespmem:s16], [sflag:$0x4] =	stream.linear.gather [hbm4b:s15+s2], $0x800, $0x38;
	v63 =	vld [tilespmem:$0x0]  }
0x66: {  	_ =	swait.ge [sflag:s10], $0x800  }
0x67: {  	[sflag:s10] =	ssyncset.done $0x0  }
0x68: {  	s18 =	simm.s32 $0x16800;
	s17 =	rddreg [dreg:$0x15];
	[sflag:s10] =	ssyncadd.s32 $0xFFFFF800  }
0x69: {  	[tilespmem:s18], [sflag:$0x4] =	stream.linear.gather [hbm4b:s17+s2], $0x800, $0x38;
	v63 =	vld [tilespmem:$0x0]  }
0x6a: {  	_ =	swait.ge [sflag:s10], $0x800  }
0x6b: {  	s22 =	simm.s32 $0x14080;
	[sflag:s10] =	ssyncset.done $0x0  }
0x6c: {  	s7 =	simm.s32 $0x600;
	s13 =	sld [smem:$0x7FD];
	[sflag:s10] =	ssyncadd.s32 $0xFFFFF800  }
0x6d: {  	[tilespmem:s21], [sflag:$0x1] =	stream.indirect.gather [hbm4b:s0+s19], $0x80, s8, s19, $0xb8;
	v63 =	vld [tilespmem:$0x0]  }
0x6e: {  	s9 =	simm.s32 $0x900;
	s14 =	rddreg [dreg:$0x1f];
	s8 =	simm.s32 $0x12  }
0x6f: {  	[tilespmem:s23], [sflag:$0x2] =	stream.indirect.gather [hbm4b:s0+s19], $0x80, s22, s19, $0xb8;
	v63 =	vld [tilespmem:$0x0]  }
.LBB2_8:
0x70: {  	s15 =	sadd.s32 $0xFFFFFA00, s7  }
0x71: {  	_ =	swait.ge [sflag:s28], $0x3E80;
	s15 =	sand.u32 $0x7C00, s15  }
0x72: {  	[sflag:s28] =	ssyncset.done $0x0;
	s15 =	sshrl.u32 s15, $0x2  }
0x73: {  	s17 =	sadd.s32 $0xFFFFFFF0, s8;
	[sflag:s28] =	ssyncadd.s32 $0xFFFFC180;
	s16 =	sor.u32 $0x16000, s15  }
0x74: {  	[spmem:s3] =	stream.indirect.scatter.add.f32 [tilespmem:s21], [sflag:$0x4], $0x80, s16, s19, $0xb8;
	v63 =	vld [tilespmem:$0x0]  }
0x75: {  	s16 =	sand.u32 $0xE, s17  }
0x76: {  	p2 =	sne.s32 s16, $0x0  }
0x77: {  	_ =	swait.ge [sflag:s10], $0x3E80;
	p3 =	slt.u32 @!p2 s2, $0xF  }
0x78: {  	[sflag:s10] =	ssyncset.done $0x0;
	p4 =	por p3, p2  }
0x79: {  	[sflag:s10] =	ssyncadd.s32 $0xFFFFC180;
	s16 =	simm.s32 @!p4 $0x3  }
0x7a: {  	_ =	swait.ge @!p4 [sflag:s16], $0x800  }
0x7b: {  	[sflag:s16] =	ssyncset.done @!p4 $0x0  }
0x7c: {  	p5 =	sgt.u32 @!p4 s2, $0x6E;
	[sflag:s16] =	ssyncadd.s32 @!p4 $0xFFFFF800  }
0x7d: {  	p3 =	por @!p2 p3, !p5;
	_ =	swait.ge @!p4 [sflag:s16], $0x800  }
0x7e: {  	p2 =	por p2, !p3;
	[sflag:s16] =	ssyncset.done @!p4 $0x0  }
0x7f: {  	[sflag:s16] =	ssyncadd.s32 @!p4 $0xFFFFF800;
	s16 =	sand.u32 @!p2 $0x1C00, s9  }
0x80: {  	s17 =	sor.u32 @!p2 $0x14000, s16  }
0x81: {  	[tilespmem:s17], [sflag:$0x3] =	stream.linear.gather @!p2 [hbm4b:s13+s4], $0x800, $0x38;
	v63 =	vld [tilespmem:$0x0]  }
0x82: {  	s18 =	sadd.s32 $0xFFFFFE00, s7;
	s16 =	sor.u32 @!p2 $0x16000, s16  }
0x83: {  	[tilespmem:s16], [sflag:$0x3] =	stream.linear.gather @!p2 [hbm4b:s14+s4], $0x800, $0x38;
	v63 =	vld [tilespmem:$0x0]  }
0x84: {  	s16 =	sand.u32 $0x7C00, s18  }
0x85: {  	s16 =	sshrl.u32 s16, $0x2  }
0x86: {  	s16 =	sor.u32 $0x14000, s16  }
0x87: {  	[tilespmem:s21], [sflag:$0x1] =	stream.indirect.gather [hbm4b:s0+s19], $0x80, s16, s19, $0xb8;
	v63 =	vld [tilespmem:$0x0]  }
0x88: {  	_ =	swait.ge [sflag:s25], $0x3E80  }
0x89: {  	s22 =	sand.u32 $0x7E00, s7;
	s7 =	sadd.s32 $0x400, s7;
	[sflag:s25] =	ssyncset.done $0x0  }
0x8a: {  	s15 =	sadd.s32 $0x16080, s15;
	p2 =	sne.s32 s7, $0x1E200;
	[sflag:s25] =	ssyncadd.s32 $0xFFFFC180  }
0x8b: {  	[spmem:s3] =	stream.indirect.scatter.add.f32 [tilespmem:s23], [sflag:$0x4], $0x80, s15, s19, $0xb8;
	v63 =	vld [tilespmem:$0x0]  }
.Ltmp3:
0x8c: {  	s8 =	sadd.s32 $0x2, s8;
	(pc) =	sbr.rel @p2 .LBB2_8-.Ltmp3, $4  }
0x8d: {  	s2 =	sadd.s32 $0x1, s2;
	s9 =	sadd.s32 $0x100, s9;
	_ =	swait.ge [sflag:s10], $0x3E80  }
0x8e: {  	s13 =	sadd.s32 $0x20, s13;
	s15 =	sshrl.u32 s22, $0x2;
	[sflag:s10] =	ssyncset.done $0x0  }
0x8f: {  	s14 =	sadd.s32 $0x20, s14;
	s15 =	sor.u32 $0x14000, s15;
	[sflag:s10] =	ssyncadd.s32 $0xFFFFC180  }
0x90: {  	[tilespmem:s23], [sflag:$0x2] =	stream.indirect.gather [hbm4b:s0+s19], $0x80, s15, s19, $0xb8;
	v63 =	vld [tilespmem:$0x0]  }
0x91: {  	_ =	swait.ge [sflag:s28], $0x3E80  }
0x92: {  	[sflag:s28] =	ssyncset.done $0x0  }
0x93: {  	s2 =	simm.s32 $0x17700;
	[sflag:s28] =	ssyncadd.s32 $0xFFFFC180  }
0x94: {  	[spmem:s3] =	stream.indirect.scatter.add.f32 [tilespmem:s21], [sflag:$0x4], $0x80, s2, s19, $0xb8;
	v63 =	vld [tilespmem:$0x0]  }
0x95: {  	_ =	swait.ge [sflag:s10], $0x3E80  }
0x96: {  	[sflag:s10] =	ssyncset.done $0x0  }
0x97: {  	[sflag:s10] =	ssyncadd.s32 $0xFFFFC180  }
0x98: {  	_ =	swait.ge [sflag:s25], $0x3E80  }
0x99: {  	[sflag:s25] =	ssyncset.done $0x0  }
0x9a: {  	s18 =	simm.s32 $0x17780;
	[sflag:s25] =	ssyncadd.s32 $0xFFFFC180  }
0x9b: {  	[spmem:s3] =	stream.indirect.scatter.add.f32 [tilespmem:s23], [sflag:$0x4], $0x80, s18, s19, $0xb8;
	v63 =	vld [tilespmem:$0x0]  }
0x9c: {  	_ =	swait.ge [sflag:s10], $0x3E80  }
0x9d: {  	[sflag:s10] =	ssyncset.done $0x0  }
0x9e: {  	[sflag:s10] =	ssyncadd.s32 $0xFFFFC180  }
0x9f: {  	[bflag:$0x0] =	sbarrier.arrive $0xFFFF  }
.Ltmp4:
0xa0: {  	s22 =	rddreg [dreg:$0x18];
	(pc) =	sbr.rel .LBB2_10-.Ltmp4, $4  }
0xa1: {  	[hbm:s22], [sflag:s20] =	dma.local [spmem:s12], $0x2800  }
0xa2: {  	_ =	swait.ge [sflag:s10], $0x2800  }
0xa3: {  	[sflag:s10] =	ssyncset.done $0x0  }
0xa4: {  	[sflag:s10] =	ssyncadd.s32 $0xFFFFD800  }
.LBB2_2:
0xa5: {  	s7 =	simm.s32 $0x0;
	s8 =	rddreg [dreg:$0x9];
	s9 =	simm.s32 $0x14000  }
0xa6: {  	[tilespmem:s9], [sflag:$0x4] =	stream.linear.gather [hbm4b:s8+s7], $0x800, $0x38;
	v63 =	vld [tilespmem:$0x0]  }
0xa7: {  	_ =	swait.ge [sflag:s10], $0x800  }
0xa8: {  	[sflag:s10] =	ssyncset.done $0x0  }
0xa9: {  	s14 =	simm.s32 $0x16000;
	s29 =	rddreg [dreg:$0xa];
	[sflag:s10] =	ssyncadd.s32 $0xFFFFF800  }
0xaa: {  	[tilespmem:s14], [sflag:$0x4] =	stream.linear.gather [hbm4b:s29+s7], $0x800, $0x38;
	v63 =	vld [tilespmem:$0x0]  }
0xab: {  	_ =	swait.ge [sflag:s10], $0x800  }
0xac: {  	[sflag:s10] =	ssyncset.done $0x0  }
0xad: {  	s18 =	simm.s32 $0x14800;
	s15 =	rddreg [dreg:$0xb];
	[sflag:s10] =	ssyncadd.s32 $0xFFFFF800  }
0xae: {  	[tilespmem:s18], [sflag:$0x4] =	stream.linear.gather [hbm4b:s15+s7], $0x800, $0x38;
	v63 =	vld [tilespmem:$0x0]  }
0xaf: {  	_ =	swait.ge [sflag:s10], $0x800  }
0xb0: {  	s11 =	smov.u32 s24;
	[sflag:s10] =	ssyncset.done $0x0  }
0xb1: {  	s24 =	simm.s32 $0x16800;
	s22 =	rddreg [dreg:$0xc];
	[sflag:s10] =	ssyncadd.s32 $0xFFFFF800  }
0xb2: {  	[tilespmem:s24], [sflag:$0x4] =	stream.linear.gather [hbm4b:s22+s7], $0x800, $0x38;
	v63 =	vld [tilespmem:$0x0]  }
0xb3: {  	_ =	swait.ge [sflag:s10], $0x800  }
0xb4: {  	s8 =	simm.s32 $0x600;
	[sflag:s10] =	ssyncset.done $0x0  }
0xb5: {  	s29 =	simm.s32 $0x14080;
	s15 =	rddreg [dreg:$0x1a];
	[sflag:s10] =	ssyncadd.s32 $0xFFFFF800  }
0xb6: {  	[tilespmem:s21], [sflag:$0x1] =	stream.indirect.gather [hbm4b:s0+s19], $0x80, s9, s19, $0xb8;
	v63 =	vld [tilespmem:$0x0]  }
0xb7: {  	s14 =	simm.s32 $0x900;
	s18 =	rddreg [dreg:$0x19];
	s9 =	simm.s32 $0x12  }
0xb8: {  	[tilespmem:s23], [sflag:$0x2] =	stream.indirect.gather [hbm4b:s0+s19], $0x80, s29, s19, $0xb8;
	v63 =	vld [tilespmem:$0x0]  }
.LBB2_3:
0xb9: {  	s22 =	sadd.s32 $0xFFFFFA00, s8  }
0xba: {  	_ =	swait.ge [sflag:s28], $0x3E80;
	s22 =	sand.u32 $0x7C00, s22  }
0xbb: {  	[sflag:s28] =	ssyncset.done $0x0;
	s22 =	sshrl.u32 s22, $0x2  }
0xbc: {  	s29 =	sadd.s32 $0xFFFFFFF0, s9;
	[sflag:s28] =	ssyncadd.s32 $0xFFFFC180;
	s24 =	sor.u32 $0x16000, s22  }
0xbd: {  	[spmem:s3] =	stream.indirect.scatter.add.f32 [tilespmem:s21], [sflag:$0x4], $0x80, s24, s19, $0xb8;
	v63 =	vld [tilespmem:$0x0]  }
0xbe: {  	s24 =	sand.u32 $0xE, s29  }
0xbf: {  	p2 =	sne.s32 s24, $0x0  }
0xc0: {  	_ =	swait.ge [sflag:s10], $0x3E80;
	p3 =	slt.u32 @!p2 s7, $0xF  }
0xc1: {  	[sflag:s10] =	ssyncset.done $0x0;
	p4 =	por p3, p2  }
0xc2: {  	[sflag:s10] =	ssyncadd.s32 $0xFFFFC180;
	s24 =	simm.s32 @!p4 $0x3  }
0xc3: {  	_ =	swait.ge @!p4 [sflag:s24], $0x800  }
0xc4: {  	[sflag:s24] =	ssyncset.done @!p4 $0x0  }
0xc5: {  	p5 =	sgt.u32 @!p4 s7, $0x1E;
	[sflag:s24] =	ssyncadd.s32 @!p4 $0xFFFFF800  }
0xc6: {  	p3 =	por @!p2 p3, !p5;
	_ =	swait.ge @!p4 [sflag:s24], $0x800  }
0xc7: {  	p2 =	por p2, !p3;
	[sflag:s24] =	ssyncset.done @!p4 $0x0  }
0xc8: {  	[sflag:s24] =	ssyncadd.s32 @!p4 $0xFFFFF800;
	s24 =	sand.u32 @!p2 $0x1C00, s14  }
0xc9: {  	s29 =	sor.u32 @!p2 $0x14000, s24  }
0xca: {  	[tilespmem:s29], [sflag:$0x3] =	stream.linear.gather @!p2 [hbm4b:s15+s4], $0x800, $0x38;
	v63 =	vld [tilespmem:$0x0]  }
0xcb: {  	s24 =	sor.u32 @!p2 $0x16000, s24;
	s29 =	sadd.s32 $0xFFFFFE00, s8  }
0xcc: {  	[tilespmem:s24], [sflag:$0x3] =	stream.linear.gather @!p2 [hbm4b:s18+s4], $0x800, $0x38;
	v63 =	vld [tilespmem:$0x0]  }
0xcd: {  	s24 =	sand.u32 $0x7C00, s29  }
0xce: {  	s24 =	sshrl.u32 s24, $0x2  }
0xcf: {  	s24 =	sor.u32 $0x14000, s24  }
0xd0: {  	[tilespmem:s21], [sflag:$0x1] =	stream.indirect.gather [hbm4b:s0+s19], $0x80, s24, s19, $0xb8;
	v63 =	vld [tilespmem:$0x0]  }
0xd1: {  	_ =	swait.ge [sflag:s25], $0x3E80  }
0xd2: {  	s29 =	sand.u32 $0x7E00, s8;
	s8 =	sadd.s32 $0x400, s8;
	[sflag:s25] =	ssyncset.done $0x0  }
0xd3: {  	s22 =	sadd.s32 $0x16080, s22;
	p2 =	sne.s32 s8, $0xA200;
	[sflag:s25] =	ssyncadd.s32 $0xFFFFC180  }
0xd4: {  	[spmem:s3] =	stream.indirect.scatter.add.f32 [tilespmem:s23], [sflag:$0x4], $0x80, s22, s19, $0xb8;
	v63 =	vld [tilespmem:$0x0]  }
.Ltmp5:
0xd5: {  	s9 =	sadd.s32 $0x2, s9;
	(pc) =	sbr.rel @p2 .LBB2_3-.Ltmp5, $4  }
0xd6: {  	s7 =	sadd.s32 $0x1, s7;
	s14 =	sadd.s32 $0x100, s14;
	_ =	swait.ge [sflag:s10], $0x3E80  }
0xd7: {  	s15 =	sadd.s32 $0x20, s15;
	s22 =	sshrl.u32 s29, $0x2;
	[sflag:s10] =	ssyncset.done $0x0  }
0xd8: {  	s18 =	sadd.s32 $0x20, s18;
	s22 =	sor.u32 $0x14000, s22;
	[sflag:s10] =	ssyncadd.s32 $0xFFFFC180  }
0xd9: {  	[tilespmem:s23], [sflag:$0x2] =	stream.indirect.gather [hbm4b:s0+s19], $0x80, s22, s19, $0xb8;
	v63 =	vld [tilespmem:$0x0]  }
0xda: {  	_ =	swait.ge [sflag:s28], $0x3E80  }
0xdb: {  	[sflag:s28] =	ssyncset.done $0x0  }
0xdc: {  	s7 =	simm.s32 $0x16700;
	[sflag:s28] =	ssyncadd.s32 $0xFFFFC180  }
0xdd: {  	[spmem:s3] =	stream.indirect.scatter.add.f32 [tilespmem:s21], [sflag:$0x4], $0x80, s7, s19, $0xb8;
	v63 =	vld [tilespmem:$0x0]  }
0xde: {  	_ =	swait.ge [sflag:s10], $0x3E80  }
0xdf: {  	[sflag:s10] =	ssyncset.done $0x0  }
0xe0: {  	[sflag:s10] =	ssyncadd.s32 $0xFFFFC180  }
0xe1: {  	_ =	swait.ge [sflag:s25], $0x3E80  }
0xe2: {  	[sflag:s25] =	ssyncset.done $0x0  }
0xe3: {  	s8 =	simm.s32 $0x16780;
	[sflag:s25] =	ssyncadd.s32 $0xFFFFC180  }
0xe4: {  	[spmem:s3] =	stream.indirect.scatter.add.f32 [tilespmem:s23], [sflag:$0x4], $0x80, s8, s19, $0xb8;
	v63 =	vld [tilespmem:$0x0]  }
0xe5: {  	_ =	swait.ge [sflag:s10], $0x3E80  }
0xe6: {  	[sflag:s10] =	ssyncset.done $0x0  }
0xe7: {  	[sflag:s10] =	ssyncadd.s32 $0xFFFFC180  }
0xe8: {  	[bflag:$0x0] =	sbarrier.arrive $0xFFFF  }
0xe9: {  	s9 =	rddreg [dreg:$0xd]  }
0xea: {  	[hbm:s9], [sflag:s20] =	dma.local [spmem:s12], $0x2800  }
0xeb: {  	_ =	swait.ge [sflag:s10], $0x2800  }
0xec: {  	[sflag:s10] =	ssyncset.done $0x0  }
0xed: {  	[sflag:s10] =	ssyncadd.s32 $0xFFFFD800  }
0xee: {  	[spmem:s12], [sflag:s20] =	dma.local [hbm:s5], $0x800  }
0xef: {  	_ =	swait.ge [sflag:s10], $0x800  }
0xf0: {  	[sflag:s10] =	ssyncset.done $0x0  }
0xf1: {  	[sflag:s10] =	ssyncadd.s32 $0xFFFFF800  }
0xf2: {  	[spmem:s13], [sflag:s20] =	dma.local [hbm:s5], $0x800  }
0xf3: {  	_ =	swait.ge [sflag:s10], $0x800  }
0xf4: {  	[sflag:s10] =	ssyncset.done $0x0  }
0xf5: {  	[sflag:s10] =	ssyncadd.s32 $0xFFFFF800  }
0xf6: {  	[spmem:s16], [sflag:s20] =	dma.local [hbm:s5], $0x800  }
0xf7: {  	_ =	swait.ge [sflag:s10], $0x800  }
0xf8: {  	[sflag:s10] =	ssyncset.done $0x0  }
0xf9: {  	[sflag:s10] =	ssyncadd.s32 $0xFFFFF800  }
0xfa: {  	[spmem:s2], [sflag:s20] =	dma.local [hbm:s5], $0x800  }
0xfb: {  	_ =	swait.ge [sflag:s10], $0x800  }
0xfc: {  	[sflag:s10] =	ssyncset.done $0x0  }
0xfd: {  	[sflag:s10] =	ssyncadd.s32 $0xFFFFF800  }
0xfe: {  	[spmem:s17], [sflag:s20] =	dma.local [hbm:s5], $0x800  }
0xff: {  	_ =	swait.ge [sflag:s10], $0x800  }
0x100: {  	[sflag:s10] =	ssyncset.done $0x0  }
0x101: {  	[sflag:s10] =	ssyncadd.s32 $0xFFFFF800  }
0x102: {  	[bflag:$0x0] =	sbarrier.arrive $0xFFFF  }
0x103: {  	s8 =	simm.s32 $0x14000;
	s2 =	simm.s32 $0x0;
	s14 =	rddreg [dreg:$0xe]  }
0x104: {  	[tilespmem:s8], [sflag:$0x4] =	stream.linear.gather [hbm4b:s14+s2], $0x800, $0x38;
	v63 =	vld [tilespmem:$0x0]  }
0x105: {  	_ =	swait.ge [sflag:s10], $0x800  }
0x106: {  	[sflag:s10] =	ssyncset.done $0x0  }
0x107: {  	s9 =	simm.s32 $0x16000;
	s15 =	rddreg [dreg:$0xf];
	[sflag:s10] =	ssyncadd.s32 $0xFFFFF800  }
0x108: {  	[tilespmem:s9], [sflag:$0x4] =	stream.linear.gather [hbm4b:s15+s2], $0x800, $0x38;
	v63 =	vld [tilespmem:$0x0]  }
0x109: {  	_ =	swait.ge [sflag:s10], $0x800  }
0x10a: {  	[sflag:s10] =	ssyncset.done $0x0  }
0x10b: {  	s17 =	simm.s32 $0x14800;
	s16 =	rddreg [dreg:$0x10];
	[sflag:s10] =	ssyncadd.s32 $0xFFFFF800  }
0x10c: {  	[tilespmem:s17], [sflag:$0x4] =	stream.linear.gather [hbm4b:s16+s2], $0x800, $0x38;
	v63 =	vld [tilespmem:$0x0]  }
0x10d: {  	_ =	swait.ge [sflag:s10], $0x800  }
0x10e: {  	[sflag:s10] =	ssyncset.done $0x0  }
0x10f: {  	s22 =	simm.s32 $0x16800;
	s18 =	rddreg [dreg:$0x11];
	[sflag:s10] =	ssyncadd.s32 $0xFFFFF800  }
0x110: {  	[tilespmem:s22], [sflag:$0x4] =	stream.linear.gather [hbm4b:s18+s2], $0x800, $0x38;
	v63 =	vld [tilespmem:$0x0]  }
0x111: {  	_ =	swait.ge [sflag:s10], $0x800  }
0x112: {  	[sflag:s10] =	ssyncset.done $0x0  }
0x113: {  	s24 =	simm.s32 $0x14080;
	s12 =	rddreg [dreg:$0x1e];
	[sflag:s10] =	ssyncadd.s32 $0xFFFFF800  }
0x114: {  	[tilespmem:s21], [sflag:$0x1] =	stream.indirect.gather [hbm4b:s0+s19], $0x80, s8, s19, $0xb8;
	v63 =	vld [tilespmem:$0x0]  }
0x115: {  	s7 =	simm.s32 $0x600;
	s9 =	simm.s32 $0x900;
	s13 =	rddreg [dreg:$0x1d]  }
0x116: {  	[tilespmem:s23], [sflag:$0x2] =	stream.indirect.gather [hbm4b:s0+s19], $0x80, s24, s19, $0xb8;
	v63 =	vld [tilespmem:$0x0]  }
0x117: {  	s29 =	rddreg [dreg:$0x1c];
	s8 =	simm.s32 $0x12;
	s24 =	smov.u32 s11  }
.LBB2_5:
0x118: {  	s14 =	sadd.s32 $0xFFFFFA00, s7  }
0x119: {  	_ =	swait.ge [sflag:s28], $0x3E80;
	s14 =	sand.u32 $0x7C00, s14  }
0x11a: {  	[sflag:s28] =	ssyncset.done $0x0;
	s14 =	sshrl.u32 s14, $0x2  }
0x11b: {  	s17 =	sadd.s32 $0xFFFFFFF0, s8;
	[sflag:s28] =	ssyncadd.s32 $0xFFFFC180;
	s15 =	sor.u32 $0x16000, s14  }
0x11c: {  	[spmem:s3] =	stream.indirect.scatter.add.f32 [tilespmem:s21], [sflag:$0x4], $0x80, s15, s19, $0xb8;
	v63 =	vld [tilespmem:$0x0]  }
0x11d: {  	s15 =	sand.u32 $0xE, s17  }
0x11e: {  	p2 =	sne.s32 s15, $0x0  }
0x11f: {  	_ =	swait.ge [sflag:s10], $0x3E80;
	p3 =	slt.u32 @!p2 s2, $0xF  }
0x120: {  	[sflag:s10] =	ssyncset.done $0x0;
	p4 =	por p3, p2  }
0x121: {  	[sflag:s10] =	ssyncadd.s32 $0xFFFFC180;
	s15 =	simm.s32 @!p4 $0x3  }
0x122: {  	_ =	swait.ge @!p4 [sflag:s15], $0x800  }
0x123: {  	[sflag:s15] =	ssyncset.done @!p4 $0x0  }
0x124: {  	p5 =	sgt.u32 @!p4 s2, $0x46;
	[sflag:s15] =	ssyncadd.s32 @!p4 $0xFFFFF800  }
0x125: {  	p3 =	por @!p2 p3, !p5;
	_ =	swait.ge @!p4 [sflag:s15], $0x800  }
0x126: {  	p2 =	por p2, !p3;
	[sflag:s15] =	ssyncset.done @!p4 $0x0  }
0x127: {  	[sflag:s15] =	ssyncadd.s32 @!p4 $0xFFFFF800;
	s15 =	sand.u32 @!p2 $0x1C00, s9  }
0x128: {  	s16 =	sor.u32 @!p2 $0x14000, s15  }
0x129: {  	[tilespmem:s16], [sflag:$0x3] =	stream.linear.gather @!p2 [hbm4b:s12+s4], $0x800, $0x38;
	v63 =	vld [tilespmem:$0x0]  }
0x12a: {  	s18 =	sadd.s32 $0xFFFFFE00, s7;
	s15 =	sor.u32 @!p2 $0x16000, s15  }
0x12b: {  	[tilespmem:s15], [sflag:$0x3] =	stream.linear.gather @!p2 [hbm4b:s13+s4], $0x800, $0x38;
	v63 =	vld [tilespmem:$0x0]  }
0x12c: {  	s15 =	sand.u32 $0x7C00, s18  }
0x12d: {  	s15 =	sshrl.u32 s15, $0x2  }
0x12e: {  	s15 =	sor.u32 $0x14000, s15  }
0x12f: {  	[tilespmem:s21], [sflag:$0x1] =	stream.indirect.gather [hbm4b:s0+s19], $0x80, s15, s19, $0xb8;
	v63 =	vld [tilespmem:$0x0]  }
0x130: {  	_ =	swait.ge [sflag:s25], $0x3E80  }
0x131: {  	s22 =	sand.u32 $0x7E00, s7;
	s7 =	sadd.s32 $0x400, s7;
	[sflag:s25] =	ssyncset.done $0x0  }
0x132: {  	s14 =	sadd.s32 $0x16080, s14;
	p2 =	sne.s32 s7, $0x14200;
	[sflag:s25] =	ssyncadd.s32 $0xFFFFC180  }
0x133: {  	[spmem:s3] =	stream.indirect.scatter.add.f32 [tilespmem:s23], [sflag:$0x4], $0x80, s14, s19, $0xb8;
	v63 =	vld [tilespmem:$0x0]  }
.Ltmp6:
0x134: {  	s8 =	sadd.s32 $0x2, s8;
	(pc) =	sbr.rel @p2 .LBB2_5-.Ltmp6, $4  }
0x135: {  	s2 =	sadd.s32 $0x1, s2;
	s9 =	sadd.s32 $0x100, s9;
	_ =	swait.ge [sflag:s10], $0x3E80  }
0x136: {  	s12 =	sadd.s32 $0x20, s12;
	s14 =	sshrl.u32 s22, $0x2;
	[sflag:s10] =	ssyncset.done $0x0  }
0x137: {  	s13 =	sadd.s32 $0x20, s13;
	s14 =	sor.u32 $0x14000, s14;
	[sflag:s10] =	ssyncadd.s32 $0xFFFFC180  }
0x138: {  	[tilespmem:s23], [sflag:$0x2] =	stream.indirect.gather [hbm4b:s0+s19], $0x80, s14, s19, $0xb8;
	v63 =	vld [tilespmem:$0x0]  }
.Ltmp7:
0x139: {  	_ = 	snop;
	(pc) =	sbr.rel .LBB2_6-.Ltmp7, $1  }
0x13a: {  	_ =	sdelay $0x3  }
.LBB2_11:
0x13b: {  	_ =	sfence.sel $0x180000  }
0x13c: {  	[bflag:$0x0] =	sbarrier.arrive $0xFFFF  }
0x13d: {  	_ =	strace $0x90000047  }
0x13e: {  	s0 =	stileid.u32;
	[bflag:$0x2] =	sbarrier.arrive $0xFFFF  }
0x13f: {  	p0 =	sne.s32 s0, $0x0;
	s0 =	rddreg [dreg:$0x8]  }
0x140: {  	s0 =	sadd.s32 @!p0 $0x100000, s0  }
0x141: {  	[sflag:s0] =	ssyncadd.tile.s32 @!p0 $0x1;
	_ =	shalt  }
.Lfunc_end2:
_tile_overlayer_lowered:
.L_overlay_start_2:
0x142: {  	(tag) =	ssettag $0x2  }
0x143: {  	s0 =	rddreg [dreg:$0x0];
	s2 =	stileid.u32  }
0x144: {  	s1 =	rddreg [dreg:$0x1];
	p0 =	sne.s32 s2, $0x0  }
0x145: {  	s3 =	rddreg [dreg:$0x2];
	[bflag:$0x3] =	sbarrier.arrive $0xFFFF;
	s2 =	simm.s32 @!p0 $0x1C04  }
0x146: {  	[timem:s3], [sflag:s2] =	dma.local @!p0 [hbm:s0], s1  }
0x147: {  	s0 =	simm.s32 @!p0 $0x4  }
0x148: {  	_ =	swait.ge @!p0 [sflag:s0], s1  }
0x149: {  	s1 =	ssub.s32 @!p0 $0x0, s1;
	[sflag:s0] =	ssyncset.done @!p0 $0x0  }
0x14a: {  	[sflag:s0] =	ssyncadd.s32 @!p0 s1  }
0x14b: {  	[bflag:$0x3] =	sbarrier.arrive $0xFFFF  }
0x14c: {  	_ =	shalt  }

</sc_bundles>
